<compile_context>
chip_gen: v7x
topology: tpu7x:2x2x1
jax: 0.10.2.dev20260603
libtpu: 0.0.44.dev20260713+nightly
codegen_flags: <defaults>
</compile_context>

<pallas_src>
import dataclasses
import functools

import jax
import jax.numpy as jnp
from jax import lax
from jax.experimental import pallas as pl
from jax.experimental.pallas import tpu as pltpu
from jax.experimental.pallas import tpu_sc as plsc

_N = 1048576
_K_SC = 65536
_SC_NUM_CORES = 1
_POS_LB = 0.6
_NEG_UB = 0.45

_LOG_C = (
    1.000000697638299,
    -0.5000073579371714,
    0.3331793082944872,
    -0.2492948416299963,
    0.20455460255136912,
    -0.18456089482990853,
    0.11784613899531443,
)
_LN2 = 0.6931471805599453
_SQRT2 = 1.4142135623730951
_MIN_NORM = 1.1754943508222875e-38

_SC_BLK = 2048
_SC_NW = 16 * _SC_NUM_CORES
_SC_L = 16

_COLS = 128
_TC_BLK_ROWS = 960


def _masked_bce(p, iou):
    pos = iou >= _POS_LB
    sel = jnp.logical_or(pos, iou <= _NEG_UB)
    arg = jnp.where(pos, p, 1.0 - p)
    ibits = lax.bitcast_convert_type(arg, jnp.int32)
    e = (ibits >> 23) - 127
    m = lax.bitcast_convert_type((ibits & 0x7FFFFF) | 0x3F800000, jnp.float32)
    big = m >= _SQRT2
    m = jnp.where(big, 0.5 * m, m)
    ef = e.astype(jnp.float32) + jnp.where(big, 1.0, 0.0)
    u = m - 1.0
    pu = jnp.full(u.shape, _LOG_C[6], jnp.float32)
    for c in _LOG_C[5::-1]:
        pu = pu * u + c
    lg = ef * _LN2 + u * pu
    lg = jnp.maximum(lg, -100.0)
    lg = jnp.where(arg < _MIN_NORM, -100.0, lg)
    contrib = jnp.where(sel, -lg, 0.0)
    ones = jnp.where(sel, 1.0, 0.0)
    return contrib, ones


def _sc_block(p_vmem, i_vmem, acc_s, acc_c):
    def step(k, carry):
        s, c = carry
        p = p_vmem[pl.ds(k * _SC_L, _SC_L)]
        io = i_vmem[pl.ds(k * _SC_L, _SC_L)]
        contrib, ones = _masked_bce(p, io)
        return s + contrib, c + ones

    z = jnp.zeros((_SC_L,), jnp.float32)
    s, c = lax.fori_loop(0, _SC_BLK // _SC_L, step, (z, z))
    acc_s[...] += s
    acc_c[...] += c


def _sc_partial(p_flat, i_flat, k_sc, elem_off):
    nblk = k_sc // _SC_BLK
    blk_off = elem_off // _SC_BLK
    mesh = plsc.VectorSubcoreMesh(
        core_axis_name="c", subcore_axis_name="s", num_cores=_SC_NUM_CORES
    )
    cp = pltpu.CompilerParams()
    if "needs_layout_passes" in pltpu.CompilerParams.__dataclass_fields__:
        cp = dataclasses.replace(cp, needs_layout_passes=False)

    @functools.partial(
        pl.kernel,
        mesh=mesh,
        compiler_params=cp,
        out_type=jax.ShapeDtypeStruct((_SC_L,), jnp.float32),
        scratch_types=[
            pltpu.VMEM((_SC_L,), jnp.float32),
            pltpu.VMEM((_SC_L,), jnp.float32),
            pltpu.VMEM_SHARED((2, _SC_NW * _SC_L), jnp.float32),
            pltpu.VMEM((_SC_NW * _SC_L,), jnp.float32),
        ],
    )
    def sck(p_hbm, i_hbm, out_hbm, acc_s, acc_c, shared, loc):
        acc_s[...] = jnp.zeros((_SC_L,), jnp.float32)
        acc_c[...] = jnp.zeros((_SC_L,), jnp.float32)
        pltpu.emit_pipeline(
            lambda pv, iv: _sc_block(pv, iv, acc_s, acc_c),
            grid=(nblk,),
            in_specs=[
                pl.BlockSpec((_SC_BLK,), lambda i: (i + blk_off,)),
                pl.BlockSpec((_SC_BLK,), lambda i: (i + blk_off,)),
            ],
            out_specs=[],
            core_axis_name=("c", "s"),
            dimension_semantics=(pltpu.PARALLEL,),
        )(p_hbm, i_hbm)
        sid = lax.axis_index("s") * _SC_NUM_CORES + lax.axis_index("c")
        pltpu.sync_copy(acc_s, shared.at[0, pl.ds(sid * _SC_L, _SC_L)])
        pltpu.sync_copy(acc_c, shared.at[1, pl.ds(sid * _SC_L, _SC_L)])
        plsc.subcore_barrier()

        @pl.when(sid == 0)
        def _():
            z = jnp.zeros((_SC_L,), jnp.float32)

            def red(i, v):
                return v + loc[pl.ds(i * _SC_L, _SC_L)]

            pltpu.sync_copy(shared.at[0], loc)
            s_tot = jnp.sum(lax.fori_loop(0, _SC_NW, red, z))
            pltpu.sync_copy(shared.at[1], loc)
            c_tot = jnp.sum(lax.fori_loop(0, _SC_NW, red, z))
            lane = lax.iota(jnp.int32, _SC_L)
            acc_s[...] = jnp.where(lane == 0, s_tot, jnp.where(lane == 1, c_tot, 0.0))
            pltpu.sync_copy(acc_s, out_hbm)

    return sck(p_flat, i_flat)


def _tc_body(p_ref, i_ref, s_ref, c_ref, acc_ref):
    step = pl.program_id(0)
    p = p_ref[...]
    iou = i_ref[...]
    pos = iou >= _POS_LB
    sel = pos | (iou <= _NEG_UB)
    arg = jnp.where(pos, p, 1.0 - p)
    l = jnp.maximum(jnp.log(arg), -100.0)
    s = jnp.sum(jnp.where(sel, l, 0.0))
    c = jnp.sum(jnp.where(sel, 1.0, 0.0))

    @pl.when(step == 0)
    def _():
        acc_ref[0] = 0.0
        acc_ref[1] = 0.0

    acc_ref[0] -= s
    acc_ref[1] += c

    @pl.when(step == pl.num_programs(0) - 1)
    def _():
        s_ref[0, 0] = acc_ref[0]
        c_ref[0, 0] = acc_ref[1]


def _tc_partial(p2, i2, n_rows):
    n_steps = n_rows // _TC_BLK_ROWS
    s, c = pl.pallas_call(
        _tc_body,
        grid=(n_steps,),
        in_specs=[
            pl.BlockSpec((_TC_BLK_ROWS, _COLS), lambda i: (i, 0)),
            pl.BlockSpec((_TC_BLK_ROWS, _COLS), lambda i: (i, 0)),
        ],
        out_specs=[
            pl.BlockSpec((1, 1), lambda i: (0, 0), memory_space=pltpu.SMEM),
            pl.BlockSpec((1, 1), lambda i: (0, 0), memory_space=pltpu.SMEM),
        ],
        out_shape=[
            jax.ShapeDtypeStruct((1, 1), jnp.float32),
            jax.ShapeDtypeStruct((1, 1), jnp.float32),
        ],
        scratch_shapes=[pltpu.SMEM((2,), jnp.float32)],
    )(p2, i2)
    return s[0, 0], c[0, 0]


@jax.jit
def kernel(pred, iou):
    p = pred.reshape(_N)
    total = jnp.float32(0.0)
    cnt = jnp.float32(0.0)
    if _K_SC > 0:
        sc_out = _sc_partial(p, iou, _K_SC, _N - _K_SC)
        total = total + sc_out[0]
        cnt = cnt + sc_out[1]
    if _K_SC < _N:
        p2 = p.reshape(_N // _COLS, _COLS)
        i2 = iou.reshape(_N // _COLS, _COLS)
        tc_s, tc_c = _tc_partial(p2, i2, (_N - _K_SC) // _COLS)
        total = total + tc_s
        cnt = cnt + tc_c
    return jnp.where(cnt > 0.0, total / cnt, jnp.float32(0.0))

# --- scband reference (transcript-rebuilt; emitter-appended) ---
"""Pipeline reference for scband-classification-loss-25563645346545 (READ-ONLY COPY).

The authoritative reference and input builder live on the scoring server;
editing this copy changes nothing except your own understanding.
"""

import jax, jax.numpy as jnp
import numpy as np

N = 1048576
POSITIVE_CLS_LB = 0.6
NEGATIVE_CLS_UB = 0.45


def setup_inputs(seed: int = 0) -> dict:
    key = jax.random.key(seed)
    k1, k2 = jax.random.split(key)
    pred = jax.random.uniform(k1, (N, 1), dtype=jnp.float32)
    iou = jax.random.uniform(k2, (N,), dtype=jnp.float32)
    return {"pred": pred, "iou": iou}


def reference(pred, iou):
    neg_mask = iou <= NEGATIVE_CLS_UB
    pos_mask = iou >= POSITIVE_CLS_LB
    sel_mask = (neg_mask | pos_mask)[:, None]
    target = pos_mask.astype(jnp.float32)[:, None]
    p = pred
    t = target
    # nn.BCELoss with mean reduction; PyTorch clamps log terms at -100
    log_p = jnp.clip(jnp.log(p), -100.0, None)
    log_1mp = jnp.clip(jnp.log(1.0 - p), -100.0, None)
    loss = -(t * log_p + (1.0 - t) * log_1mp)
    cnt = jnp.sum(sel_mask).astype(jnp.float32)
    masked_sum = jnp.sum(jnp.where(sel_mask, loss, 0.0))
    return jnp.where(cnt > 0.0, masked_sum / cnt, jnp.float32(0.0))

if __name__ == "__main__":
    import jax
    _d = setup_inputs()
    print(jax.jit(kernel)(*tuple(_d.values())))

</pallas_src>

<mosaic_0001>
#map = affine_map<(d0, d1) -> (0)>
module attributes {stable_mosaic.version = 14 : i64} {
  func.func @sck(%arg0: i32, %arg1: i32, %arg2: memref<1048576xf32, #tpu.memory_space<hbm>>, %arg3: memref<1048576xf32, #tpu.memory_space<hbm>>, %arg4: memref<16xf32, #tpu.memory_space<hbm>>, %arg5: memref<16xf32, #tpu.memory_space<vmem>>, %arg6: memref<16xf32, #tpu.memory_space<vmem>>, %arg7: memref<2x256xf32, #tpu.memory_space<vmem_shared>>, %arg8: memref<256xf32, #tpu.memory_space<vmem>>) attributes {dimension_semantics = [#tpu.dimension_semantics<core_parallel>, #tpu.dimension_semantics<subcore_parallel>], iteration_bounds = array<i64: 1, 16>, scalar_prefetch = 0 : i64, scratch_operands = 4 : i64, tpu.core_type = #tpu.core_type<sc_vector_subcore>, window_params = [{transform_indices = #map}, {transform_indices = #map}, {transform_indices = #map}]} {
    %broadcast_in_dim3A = arith.constant 0.000000e+00 : f32
    %broadcast_in_dim3A_0 = vector.broadcast %broadcast_in_dim3A : f32 to vector<16xf32>
    %swap3A = arith.constant 0 : index
    %swap3A_1 = tpu.vector_load %arg5[%swap3A] {strides = array<i32>} : memref<16xf32, #tpu.memory_space<vmem>>, vector<16xf32>,
    tpu.vector_store %arg5[%swap3A], %broadcast_in_dim3A_0 {strides = array<i32>} : memref<16xf32, #tpu.memory_space<vmem>>, vector<16xf32>,
    %broadcast_in_dim3A_2 = arith.constant 0.000000e+00 : f32
    %broadcast_in_dim3A_3 = vector.broadcast %broadcast_in_dim3A_2 : f32 to vector<16xf32>
    %swap3A_4 = arith.constant 0 : index
    %swap3A_5 = tpu.vector_load %arg6[%swap3A_4] {strides = array<i32>} : memref<16xf32, #tpu.memory_space<vmem>>, vector<16xf32>,
    tpu.vector_store %arg6[%swap3A_4], %broadcast_in_dim3A_3 {strides = array<i32>} : memref<16xf32, #tpu.memory_space<vmem>>, vector<16xf32>,
    %mul3A = arith.constant 1 : i32
    %mul3A_6 = arith.muli %arg1, %mul3A : i32
    %add3A = arith.constant 0 : i32
    %add3A_7 = arith.addi %add3A, %mul3A_6 : i32
    %mul3A_8 = arith.constant 16 : i32
    %mul3A_9 = arith.muli %arg0, %mul3A_8 : i32
    %add3A_10 = arith.addi %add3A_7, %mul3A_9 : i32
    %mul3A_11 = arith.constant 2 : i32
    %mul3A_12 = arith.muli %add3A_10, %mul3A_11 : i32
    "tpu.region"() ({
      %run_scoped3A_23 = memref.alloca() : memref<4096xf32, #tpu.memory_space<vmem>>
      %run_scoped3A_24 = tpu.sem_alloc : memref<2x!tpu.dma_semaphore, #tpu.memory_space<semaphore_mem>>
      %run_scoped3A_25 = memref.alloca() : memref<4096xf32, #tpu.memory_space<vmem>>
      %run_scoped3A_26 = tpu.sem_alloc : memref<2x!tpu.dma_semaphore, #tpu.memory_space<semaphore_mem>>
      %add3A_27 = arith.constant 0 : i32
      %add3A_28 = arith.addi %add3A_27, %mul3A_12 : i32
      %select_n3A = arith.constant true
      %select_n3A_29 = arith.constant 0 : i32
      %select_n3A_30 = arith.constant -1 : i32
      %select_n3A_31 = arith.select %select_n3A, %select_n3A_30, %select_n3A_29 : i32
      %eq3A_32 = arith.constant -1 : i32
      %eq3A_33 = arith.cmpi eq, %select_n3A_31, %eq3A_32 : i32
      %select_n3A_34 = arith.constant 1 : i32
      %select_n3A_35 = arith.select %eq3A_33, %select_n3A_34, %select_n3A_31 : i32
      %add3A_36 = arith.addi %select_n3A_35, %mul3A_12 : i32
      %select_n3A_37 = arith.constant true
      %select_n3A_38 = arith.constant 0 : i32
      %select_n3A_39 = arith.constant 1 : i32
      %select_n3A_40 = arith.select %select_n3A_37, %select_n3A_39, %select_n3A_38 : i32
      %eq3A_41 = arith.constant 2 : i32
      %eq3A_42 = arith.cmpi eq, %select_n3A_40, %eq3A_41 : i32
      %select_n3A_43 = arith.constant 0 : i32
      %select_n3A_44 = arith.select %eq3A_42, %select_n3A_43, %select_n3A_40 : i32
      %add3A_45 = arith.addi %select_n3A_44, %mul3A_12 : i32
      %add3A_46 = arith.constant 1 : i32
      %add3A_47 = arith.addi %select_n3A_44, %add3A_46 : i32
      %select_n3A_48 = arith.constant true
      %select_n3A_49 = arith.select %select_n3A_48, %add3A_47, %select_n3A_44 : i32
      %eq3A_50 = arith.constant 2 : i32
      %eq3A_51 = arith.cmpi eq, %select_n3A_49, %eq3A_50 : i32
      %select_n3A_52 = arith.constant 0 : i32
      %select_n3A_53 = arith.select %eq3A_51, %select_n3A_52, %select_n3A_49 : i32
      %add3A_54 = arith.addi %select_n3A_53, %mul3A_12 : i32
      "tpu.trace_start"() <{level = 10 : i32, message = "ep_initialize_0"}> : () -> ()
      %rem3A = arith.constant 0 : i32
      %rem3A_55 = arith.constant 2 : i32
      %rem3A_56 = arith.remui %rem3A, %rem3A_55 : i32
      %add3A_57 = arith.constant 480 : i32
      %add3A_58 = arith.addi %add3A_28, %add3A_57 : i32
      %mul3A_59 = arith.constant 2048 : i32
      %mul3A_60 = arith.muli %mul3A_59, %add3A_58 : i32
      %mul3A_61 = arith.constant 2048 : i32
      %mul3A_62 = arith.muli %rem3A_56, %mul3A_61 : i32
      %add3A_63 = arith.constant 0 : i32
      %add3A_64 = arith.addi %mul3A_62, %add3A_63 : i32
      %dma_start3A = tpu.memref_slice %run_scoped3A_23[%add3A_64] : memref<4096xf32, #tpu.memory_space<vmem>> -> memref<2048xf32, #tpu.memory_space<vmem>>
      %dma_start3A_65 = tpu.memref_slice %arg2[%mul3A_60] : memref<1048576xf32, #tpu.memory_space<hbm>> -> memref<2048xf32, #tpu.memory_space<hbm>>
      %dma_start3A_66 = tpu.memref_slice %run_scoped3A_24[%rem3A_56] : memref<2x!tpu.dma_semaphore, #tpu.memory_space<semaphore_mem>> -> memref<1x!tpu.dma_semaphore, #tpu.memory_space<semaphore_mem>>
      %dma_start3A_67 = tpu.memref_squeeze %dma_start3A_66 : memref<1x!tpu.dma_semaphore, #tpu.memory_space<semaphore_mem>> -> memref<!tpu.dma_semaphore, #tpu.memory_space<semaphore_mem>>
      %dma_start3A_68 = tpu.memref_slice %run_scoped3A_23[%add3A_64] : memref<4096xf32, #tpu.memory_space<vmem>> -> memref<2048xf32, #tpu.memory_space<vmem>>
      %dma_start3A_69 = tpu.memref_slice %arg2[%mul3A_60] : memref<1048576xf32, #tpu.memory_space<hbm>> -> memref<2048xf32, #tpu.memory_space<hbm>>
      tpu.enqueue_dma source(%dma_start3A_69 : memref<2048xf32, #tpu.memory_space<hbm>>) target(%dma_start3A_68 : memref<2048xf32, #tpu.memory_space<vmem>>) target_semaphore(%dma_start3A_67 : memref<!tpu.dma_semaphore, #tpu.memory_space<semaphore_mem>>)
      %add3A_70 = arith.constant 0 : i32
      %add3A_71 = arith.constant 1 : i32
      %add3A_72 = arith.addi %add3A_70, %add3A_71 : i32
      %select_n3A_73 = arith.constant true
      %select_n3A_74 = arith.constant 0 : i32
      %select_n3A_75 = arith.select %select_n3A_73, %add3A_72, %select_n3A_74 : i32
      %rem3A_76 = arith.constant 0 : i32
      %rem3A_77 = arith.constant 2 : i32
      %rem3A_78 = arith.remui %rem3A_76, %rem3A_77 : i32
      %add3A_79 = arith.constant 480 : i32
      %add3A_80 = arith.addi %add3A_28, %add3A_79 : i32
      %mul3A_81 = arith.constant 2048 : i32
      %mul3A_82 = arith.muli %mul3A_81, %add3A_80 : i32
      %mul3A_83 = arith.constant 2048 : i32
      %mul3A_84 = arith.muli %rem3A_78, %mul3A_83 : i32
      %add3A_85 = arith.constant 0 : i32
      %add3A_86 = arith.addi %mul3A_84, %add3A_85 : i32
      %dma_start3A_87 = tpu.memref_slice %run_scoped3A_25[%add3A_86] : memref<4096xf32, #tpu.memory_space<vmem>> -> memref<2048xf32, #tpu.memory_space<vmem>>
      %dma_start3A_88 = tpu.memref_slice %arg3[%mul3A_82] : memref<1048576xf32, #tpu.memory_space<hbm>> -> memref<2048xf32, #tpu.memory_space<hbm>>
      %dma_start3A_89 = tpu.memref_slice %run_scoped3A_26[%rem3A_78] : memref<2x!tpu.dma_semaphore, #tpu.memory_space<semaphore_mem>> -> memref<1x!tpu.dma_semaphore, #tpu.memory_space<semaphore_mem>>
      %dma_start3A_90 = tpu.memref_squeeze %dma_start3A_89 : memref<1x!tpu.dma_semaphore, #tpu.memory_space<semaphore_mem>> -> memref<!tpu.dma_semaphore, #tpu.memory_space<semaphore_mem>>
      %dma_start3A_91 = tpu.memref_slice %run_scoped3A_25[%add3A_86] : memref<4096xf32, #tpu.memory_space<vmem>> -> memref<2048xf32, #tpu.memory_space<vmem>>
      %dma_start3A_92 = tpu.memref_slice %arg3[%mul3A_82] : memref<1048576xf32, #tpu.memory_space<hbm>> -> memref<2048xf32, #tpu.memory_space<hbm>>
      tpu.enqueue_dma source(%dma_start3A_92 : memref<2048xf32, #tpu.memory_space<hbm>>) target(%dma_start3A_91 : memref<2048xf32, #tpu.memory_space<vmem>>) target_semaphore(%dma_start3A_90 : memref<!tpu.dma_semaphore, #tpu.memory_space<semaphore_mem>>)
      %add3A_93 = arith.constant 0 : i32
      %add3A_94 = arith.constant 1 : i32
      %add3A_95 = arith.addi %add3A_93, %add3A_94 : i32
      %select_n3A_96 = arith.constant true
      %select_n3A_97 = arith.constant 0 : i32
      %select_n3A_98 = arith.select %select_n3A_96, %add3A_95, %select_n3A_97 : i32
      "tpu.trace_stop"() : () -> ()
      %scan3A = arith.constant 0 : i32
      %scan3A_99 = arith.constant 0 : i32
      %scan3A_100 = arith.constant 0 : i32
      %scan3A_101 = arith.constant 0 : i32
      %scan3A_102 = arith.constant 2 : i32
      %scan3A_103 = arith.addi %scan3A_101, %scan3A_102 : i32
      %scan3A_104 = arith.constant 1 : i32
      %scan3A_105:5 = scf.for %scan3A_142 = %scan3A_101 to %scan3A_103 step %scan3A_104 iter_args(%scan3A_143 = %select_n3A_75, %scan3A_144 = %scan3A, %scan3A_145 = %select_n3A_98, %scan3A_146 = %scan3A_99, %scan3A_147 = %scan3A_100) -> (i32, i32, i32, i32, i32)  : i32 {
        %eq3A_148 = arith.constant 0 : i32
        %eq3A_149 = arith.cmpi eq, %scan3A_142, %eq3A_148 : i32
        %eq3A_150 = arith.constant 1 : i32
        %eq3A_151 = arith.cmpi eq, %scan3A_142, %eq3A_150 : i32
        %add3A_152 = arith.addi %scan3A_147, %mul3A_12 : i32
        %sub3A_153 = arith.constant 1 : i32
        %sub3A_154 = arith.subi %scan3A_147, %sub3A_153 : i32
        %select_n3A_155 = arith.constant true
        %select_n3A_156 = arith.select %select_n3A_155, %sub3A_154, %scan3A_147 : i32
        %eq3A_157 = arith.constant -1 : i32
        %eq3A_158 = arith.cmpi eq, %select_n3A_156, %eq3A_157 : i32
        %select_n3A_159 = arith.constant 1 : i32
        %select_n3A_160 = arith.select %eq3A_158, %select_n3A_159, %select_n3A_156 : i32
        %add3A_161 = arith.addi %select_n3A_160, %mul3A_12 : i32
        %add3A_162 = arith.constant 1 : i32
        %add3A_163 = arith.addi %scan3A_147, %add3A_162 : i32
        %select_n3A_164 = arith.constant true
        %select_n3A_165 = arith.select %select_n3A_164, %add3A_163, %scan3A_147 : i32
        %eq3A_166 = arith.constant 2 : i32
        %eq3A_167 = arith.cmpi eq, %select_n3A_165, %eq3A_166 : i32
        %select_n3A_168 = arith.constant 0 : i32
        %select_n3A_169 = arith.select %eq3A_167, %select_n3A_168, %select_n3A_165 : i32
        %add3A_170 = arith.addi %select_n3A_169, %mul3A_12 : i32
        %add3A_171 = arith.constant 1 : i32
        %add3A_172 = arith.addi %select_n3A_169, %add3A_171 : i32
        %select_n3A_173 = arith.constant true
        %select_n3A_174 = arith.select %select_n3A_173, %add3A_172, %select_n3A_169 : i32
        %eq3A_175 = arith.constant 2 : i32
        %eq3A_176 = arith.cmpi eq, %select_n3A_174, %eq3A_175 : i32
        %select_n3A_177 = arith.constant 0 : i32
        %select_n3A_178 = arith.select %eq3A_176, %select_n3A_177, %select_n3A_174 : i32
        %add3A_179 = arith.addi %select_n3A_178, %mul3A_12 : i32
        %add3A_180 = arith.constant 480 : i32
        %add3A_181 = arith.addi %add3A_152, %add3A_180 : i32
        %add3A_182 = arith.constant 480 : i32
        %add3A_183 = arith.addi %add3A_170, %add3A_182 : i32
        %ne3A = arith.cmpi ne, %add3A_181, %add3A_183 : i32
        %or3A = arith.constant false
        %or3A_184 = arith.ori %or3A, %ne3A : i1
        %ge3A = arith.constant 1 : i32
        %ge3A_185 = arith.cmpi sge, %scan3A_142, %ge3A : i32
        %not3A = arith.constant true
        %not3A_186 = arith.xori %ge3A_185, %not3A : i1
        %and3A = arith.andi %or3A_184, %not3A_186 : i1
        %convert_element_type3A_187 = arith.extui %and3A : i1 to i32
        %cond3A_188 = arith.constant 0 : i32
        %cond3A_189 = arith.cmpi ne, %convert_element_type3A_187, %cond3A_188 : i32
        scf.if %cond3A_189 {
          "tpu.trace_start"() <{level = 10 : i32, message = "ep_copy_in"}> : () -> ()
          %rem3A_348 = arith.constant 2 : i32
          %rem3A_349 = arith.remui %scan3A_143, %rem3A_348 : i32
          %add3A_350 = arith.constant 480 : i32
          %add3A_351 = arith.addi %add3A_170, %add3A_350 : i32
          %mul3A_352 = arith.constant 2048 : i32
          %mul3A_353 = arith.muli %mul3A_352, %add3A_351 : i32
          %mul3A_354 = arith.constant 2048 : i32
          %mul3A_355 = arith.muli %rem3A_349, %mul3A_354 : i32
          %add3A_356 = arith.constant 0 : i32
          %add3A_357 = arith.addi %mul3A_355, %add3A_356 : i32
          %dma_start3A_358 = tpu.memref_slice %run_scoped3A_23[%add3A_357] : memref<4096xf32, #tpu.memory_space<vmem>> -> memref<2048xf32, #tpu.memory_space<vmem>>
          %dma_start3A_359 = tpu.memref_slice %arg2[%mul3A_353] : memref<1048576xf32, #tpu.memory_space<hbm>> -> memref<2048xf32, #tpu.memory_space<hbm>>
          %dma_start3A_360 = tpu.memref_slice %run_scoped3A_24[%rem3A_349] : memref<2x!tpu.dma_semaphore, #tpu.memory_space<semaphore_mem>> -> memref<1x!tpu.dma_semaphore, #tpu.memory_space<semaphore_mem>>
          %dma_start3A_361 = tpu.memref_squeeze %dma_start3A_360 : memref<1x!tpu.dma_semaphore, #tpu.memory_space<semaphore_mem>> -> memref<!tpu.dma_semaphore, #tpu.memory_space<semaphore_mem>>
          %dma_start3A_362 = tpu.memref_slice %run_scoped3A_23[%add3A_357] : memref<4096xf32, #tpu.memory_space<vmem>> -> memref<2048xf32, #tpu.memory_space<vmem>>
          %dma_start3A_363 = tpu.memref_slice %arg2[%mul3A_353] : memref<1048576xf32, #tpu.memory_space<hbm>> -> memref<2048xf32, #tpu.memory_space<hbm>>
          tpu.enqueue_dma source(%dma_start3A_363 : memref<2048xf32, #tpu.memory_space<hbm>>) target(%dma_start3A_362 : memref<2048xf32, #tpu.memory_space<vmem>>) target_semaphore(%dma_start3A_361 : memref<!tpu.dma_semaphore, #tpu.memory_space<semaphore_mem>>)
          "tpu.trace_stop"() : () -> ()
        } else {
        }
        %and3A_190 = arith.constant true
        %and3A_191 = arith.andi %and3A, %and3A_190 : i1
        %add3A_192 = arith.constant 1 : i32
        %add3A_193 = arith.addi %scan3A_143, %add3A_192 : i32
        %select_n3A_194 = arith.select %and3A_191, %add3A_193, %scan3A_143 : i32
        %add3A_195 = arith.constant 480 : i32
        %add3A_196 = arith.addi %add3A_152, %add3A_195 : i32
        %add3A_197 = arith.constant 480 : i32
        %add3A_198 = arith.addi %add3A_170, %add3A_197 : i32
        %ne3A_199 = arith.cmpi ne, %add3A_196, %add3A_198 : i32
        %or3A_200 = arith.constant false
        %or3A_201 = arith.ori %or3A_200, %ne3A_199 : i1
        %ge3A_202 = arith.constant 1 : i32
        %ge3A_203 = arith.cmpi sge, %scan3A_142, %ge3A_202 : i32
        %not3A_204 = arith.constant true
        %not3A_205 = arith.xori %ge3A_203, %not3A_204 : i1
        %and3A_206 = arith.andi %or3A_201, %not3A_205 : i1
        %convert_element_type3A_207 = arith.extui %and3A_206 : i1 to i32
        %cond3A_208 = arith.constant 0 : i32
        %cond3A_209 = arith.cmpi ne, %convert_element_type3A_207, %cond3A_208 : i32
        scf.if %cond3A_209 {
          "tpu.trace_start"() <{level = 10 : i32, message = "ep_copy_in"}> : () -> ()
          %rem3A_348 = arith.constant 2 : i32
          %rem3A_349 = arith.remui %scan3A_145, %rem3A_348 : i32
          %add3A_350 = arith.constant 480 : i32
          %add3A_351 = arith.addi %add3A_170, %add3A_350 : i32
          %mul3A_352 = arith.constant 2048 : i32
          %mul3A_353 = arith.muli %mul3A_352, %add3A_351 : i32
          %mul3A_354 = arith.constant 2048 : i32
          %mul3A_355 = arith.muli %rem3A_349, %mul3A_354 : i32
          %add3A_356 = arith.constant 0 : i32
          %add3A_357 = arith.addi %mul3A_355, %add3A_356 : i32
          %dma_start3A_358 = tpu.memref_slice %run_scoped3A_25[%add3A_357] : memref<4096xf32, #tpu.memory_space<vmem>> -> memref<2048xf32, #tpu.memory_space<vmem>>
          %dma_start3A_359 = tpu.memref_slice %arg3[%mul3A_353] : memref<1048576xf32, #tpu.memory_space<hbm>> -> memref<2048xf32, #tpu.memory_space<hbm>>
          %dma_start3A_360 = tpu.memref_slice %run_scoped3A_26[%rem3A_349] : memref<2x!tpu.dma_semaphore, #tpu.memory_space<semaphore_mem>> -> memref<1x!tpu.dma_semaphore, #tpu.memory_space<semaphore_mem>>
          %dma_start3A_361 = tpu.memref_squeeze %dma_start3A_360 : memref<1x!tpu.dma_semaphore, #tpu.memory_space<semaphore_mem>> -> memref<!tpu.dma_semaphore, #tpu.memory_space<semaphore_mem>>
          %dma_start3A_362 = tpu.memref_slice %run_scoped3A_25[%add3A_357] : memref<4096xf32, #tpu.memory_space<vmem>> -> memref<2048xf32, #tpu.memory_space<vmem>>
          %dma_start3A_363 = tpu.memref_slice %arg3[%mul3A_353] : memref<1048576xf32, #tpu.memory_space<hbm>> -> memref<2048xf32, #tpu.memory_space<hbm>>
          tpu.enqueue_dma source(%dma_start3A_363 : memref<2048xf32, #tpu.memory_space<hbm>>) target(%dma_start3A_362 : memref<2048xf32, #tpu.memory_space<vmem>>) target_semaphore(%dma_start3A_361 : memref<!tpu.dma_semaphore, #tpu.memory_space<semaphore_mem>>)
          "tpu.trace_stop"() : () -> ()
        } else {
        }
        %and3A_210 = arith.constant true
        %and3A_211 = arith.andi %and3A_206, %and3A_210 : i1
        %add3A_212 = arith.constant 1 : i32
        %add3A_213 = arith.addi %scan3A_145, %add3A_212 : i32
        %select_n3A_214 = arith.select %and3A_211, %add3A_213, %scan3A_145 : i32
        %add3A_215 = arith.constant 480 : i32
        %add3A_216 = arith.addi %add3A_152, %add3A_215 : i32
        %add3A_217 = arith.constant 480 : i32
        %add3A_218 = arith.addi %add3A_161, %add3A_217 : i32
        %ne3A_219 = arith.cmpi ne, %add3A_216, %add3A_218 : i32
        %or3A_220 = arith.constant false
        %or3A_221 = arith.ori %or3A_220, %ne3A_219 : i1
        %or3A_222 = arith.ori %or3A_221, %eq3A_149 : i1
        %convert_element_type3A_223 = arith.extui %or3A_222 : i1 to i32
        %cond3A_224 = arith.constant 0 : i32
        %cond3A_225 = arith.cmpi ne, %convert_element_type3A_223, %cond3A_224 : i32
        scf.if %cond3A_225 {
          "tpu.trace_start"() <{level = 10 : i32, message = "ep_wait_in"}> : () -> ()
          %add3A_348 = arith.constant 480 : i32
          %add3A_349 = arith.addi %add3A_152, %add3A_348 : i32
          %mul3A_350 = arith.constant 2048 : i32
          %mul3A_351 = arith.muli %mul3A_350, %add3A_349 : i32
          %rem3A_352 = arith.constant 2 : i32
          %rem3A_353 = arith.remui %scan3A_144, %rem3A_352 : i32
          %mul3A_354 = arith.constant 2048 : i32
          %mul3A_355 = arith.muli %rem3A_353, %mul3A_354 : i32
          %add3A_356 = arith.constant 0 : i32
          %add3A_357 = arith.addi %mul3A_355, %add3A_356 : i32
          %dma_wait3A = tpu.memref_slice %run_scoped3A_23[%add3A_357] : memref<4096xf32, #tpu.memory_space<vmem>> -> memref<2048xf32, #tpu.memory_space<vmem>>
          %dma_wait3A_358 = tpu.memref_slice %arg2[%mul3A_351] : memref<1048576xf32, #tpu.memory_space<hbm>> -> memref<2048xf32, #tpu.memory_space<hbm>>
          %dma_wait3A_359 = tpu.memref_slice %run_scoped3A_24[%rem3A_353] : memref<2x!tpu.dma_semaphore, #tpu.memory_space<semaphore_mem>> -> memref<1x!tpu.dma_semaphore, #tpu.memory_space<semaphore_mem>>
          %dma_wait3A_360 = tpu.memref_squeeze %dma_wait3A_359 : memref<1x!tpu.dma_semaphore, #tpu.memory_space<semaphore_mem>> -> memref<!tpu.dma_semaphore, #tpu.memory_space<semaphore_mem>>
          %dma_wait3A_361 = tpu.memref_slice %run_scoped3A_23[%add3A_357] : memref<4096xf32, #tpu.memory_space<vmem>> -> memref<2048xf32, #tpu.memory_space<vmem>>
          %dma_wait3A_362 = tpu.memref_slice %arg2[%mul3A_351] : memref<1048576xf32, #tpu.memory_space<hbm>> -> memref<2048xf32, #tpu.memory_space<hbm>>
          tpu.wait_dma2 semaphore(%dma_wait3A_360 : memref<!tpu.dma_semaphore, #tpu.memory_space<semaphore_mem>>) src(%dma_wait3A_362 : memref<2048xf32, #tpu.memory_space<hbm>>) dst(%dma_wait3A_361 : memref<2048xf32, #tpu.memory_space<vmem>>)
          "tpu.trace_stop"() : () -> ()
        } else {
        }
        %add3A_226 = arith.constant 480 : i32
        %add3A_227 = arith.addi %add3A_152, %add3A_226 : i32
        %add3A_228 = arith.constant 480 : i32
        %add3A_229 = arith.addi %add3A_161, %add3A_228 : i32
        %ne3A_230 = arith.cmpi ne, %add3A_227, %add3A_229 : i32
        %or3A_231 = arith.constant false
        %or3A_232 = arith.ori %or3A_231, %ne3A_230 : i1
        %or3A_233 = arith.ori %or3A_232, %eq3A_149 : i1
        %convert_element_type3A_234 = arith.extui %or3A_233 : i1 to i32
        %cond3A_235 = arith.constant 0 : i32
        %cond3A_236 = arith.cmpi ne, %convert_element_type3A_234, %cond3A_235 : i32
        scf.if %cond3A_236 {
          "tpu.trace_start"() <{level = 10 : i32, message = "ep_wait_in"}> : () -> ()
          %add3A_348 = arith.constant 480 : i32
          %add3A_349 = arith.addi %add3A_152, %add3A_348 : i32
          %mul3A_350 = arith.constant 2048 : i32
          %mul3A_351 = arith.muli %mul3A_350, %add3A_349 : i32
          %rem3A_352 = arith.constant 2 : i32
          %rem3A_353 = arith.remui %scan3A_146, %rem3A_352 : i32
          %mul3A_354 = arith.constant 2048 : i32
          %mul3A_355 = arith.muli %rem3A_353, %mul3A_354 : i32
          %add3A_356 = arith.constant 0 : i32
          %add3A_357 = arith.addi %mul3A_355, %add3A_356 : i32
          %dma_wait3A = tpu.memref_slice %run_scoped3A_25[%add3A_357] : memref<4096xf32, #tpu.memory_space<vmem>> -> memref<2048xf32, #tpu.memory_space<vmem>>
          %dma_wait3A_358 = tpu.memref_slice %arg3[%mul3A_351] : memref<1048576xf32, #tpu.memory_space<hbm>> -> memref<2048xf32, #tpu.memory_space<hbm>>
          %dma_wait3A_359 = tpu.memref_slice %run_scoped3A_26[%rem3A_353] : memref<2x!tpu.dma_semaphore, #tpu.memory_space<semaphore_mem>> -> memref<1x!tpu.dma_semaphore, #tpu.memory_space<semaphore_mem>>
          %dma_wait3A_360 = tpu.memref_squeeze %dma_wait3A_359 : memref<1x!tpu.dma_semaphore, #tpu.memory_space<semaphore_mem>> -> memref<!tpu.dma_semaphore, #tpu.memory_space<semaphore_mem>>
          %dma_wait3A_361 = tpu.memref_slice %run_scoped3A_25[%add3A_357] : memref<4096xf32, #tpu.memory_space<vmem>> -> memref<2048xf32, #tpu.memory_space<vmem>>
          %dma_wait3A_362 = tpu.memref_slice %arg3[%mul3A_351] : memref<1048576xf32, #tpu.memory_space<hbm>> -> memref<2048xf32, #tpu.memory_space<hbm>>
          tpu.wait_dma2 semaphore(%dma_wait3A_360 : memref<!tpu.dma_semaphore, #tpu.memory_space<semaphore_mem>>) src(%dma_wait3A_362 : memref<2048xf32, #tpu.memory_space<hbm>>) dst(%dma_wait3A_361 : memref<2048xf32, #tpu.memory_space<vmem>>)
          "tpu.trace_stop"() : () -> ()
        } else {
        }
        %rem3A_237 = arith.constant 2 : i32
        %rem3A_238 = arith.remui %scan3A_144, %rem3A_237 : i32
        %mul3A_239 = arith.constant 2048 : i32
        %mul3A_240 = arith.muli %rem3A_238, %mul3A_239 : i32
        %rem3A_241 = arith.constant 2 : i32
        %rem3A_242 = arith.remui %scan3A_146, %rem3A_241 : i32
        %mul3A_243 = arith.constant 2048 : i32
        %mul3A_244 = arith.muli %rem3A_242, %mul3A_243 : i32
        %broadcast_in_dim3A_245 = arith.constant 0.000000e+00 : f32
        "tpu.trace_start"() <{level = 10 : i32, message = "ep_run_kernel"}> : () -> ()
        %broadcast_in_dim3A_246 = vector.broadcast %broadcast_in_dim3A_245 : f32 to vector<16xf32>
        %scan3A_247 = arith.constant 0 : i32
        %scan3A_248 = arith.constant 128 : i32
        %scan3A_249 = arith.addi %scan3A_247, %scan3A_248 : i32
        %scan3A_250 = arith.constant 1 : i32
        %scan3A_251:2 = scf.for %scan3A_348 = %scan3A_247 to %scan3A_249 step %scan3A_250 iter_args(%scan3A_349 = %broadcast_in_dim3A_246, %scan3A_350 = %broadcast_in_dim3A_246) -> (vector<16xf32>, vector<16xf32>)  : i32 {
          %mul3A_351 = arith.constant 16 : i32
          %mul3A_352 = arith.muli %scan3A_348, %mul3A_351 : i32
          %get3A_353 = tpu.memref_slice %run_scoped3A_23[%mul3A_240] : memref<4096xf32, #tpu.memory_space<vmem>> -> memref<2048xf32, #tpu.memory_space<vmem>>
          %get3A_354 = arith.index_cast %mul3A_352 : i32 to index
          %get3A_355 = tpu.vector_load %get3A_353[%get3A_354] {strides = array<i32>} : memref<2048xf32, #tpu.memory_space<vmem>>, vector<16xf32>,
          %mul3A_356 = arith.constant 16 : i32
          %mul3A_357 = arith.muli %scan3A_348, %mul3A_356 : i32
          %get3A_358 = tpu.memref_slice %run_scoped3A_25[%mul3A_244] : memref<4096xf32, #tpu.memory_space<vmem>> -> memref<2048xf32, #tpu.memory_space<vmem>>
          %get3A_359 = arith.index_cast %mul3A_357 : i32 to index
          %get3A_360 = tpu.vector_load %get3A_358[%get3A_359] {strides = array<i32>} : memref<2048xf32, #tpu.memory_space<vmem>>, vector<16xf32>,
          %ge3A_361 = arith.constant 6.000000e-01 : f32
          %ge3A_362 = vector.broadcast %ge3A_361 : f32 to vector<16xf32>
          %ge3A_363 = arith.cmpf oge, %get3A_360, %ge3A_362 : vector<16xf32>
          %le3A = arith.constant 4.500000e-01 : f32
          %le3A_364 = vector.broadcast %le3A : f32 to vector<16xf32>
          %le3A_365 = arith.cmpf ole, %get3A_360, %le3A_364 : vector<16xf32>
          %or3A_366 = arith.ori %ge3A_363, %le3A_365 : vector<16xi1>
          %sub3A_367 = arith.constant 1.000000e+00 : f32
          %sub3A_368 = vector.broadcast %sub3A_367 : f32 to vector<16xf32>
          %sub3A_369 = arith.subf %sub3A_368, %get3A_355 : vector<16xf32>
          %select_n3A_370 = arith.select %ge3A_363, %get3A_355, %sub3A_369 : vector<16xi1>, vector<16xf32>
          %bitcast_convert_type3A = tpu.bitcast %select_n3A_370 : vector<16xf32> -> vector<16xi32>
          %shift_right_arithmetic3A = arith.constant 23 : i32
          %shift_right_arithmetic3A_371 = vector.broadcast %shift_right_arithmetic3A : i32 to vector<16xi32>
          %shift_right_arithmetic3A_372 = arith.shrsi %bitcast_convert_type3A, %shift_right_arithmetic3A_371 : vector<16xi32>
          %sub3A_373 = arith.constant 127 : i32
          %sub3A_374 = vector.broadcast %sub3A_373 : i32 to vector<16xi32>
          %sub3A_375 = arith.subi %shift_right_arithmetic3A_372, %sub3A_374 : vector<16xi32>
          %and3A_376 = arith.constant 8388607 : i32
          %and3A_377 = vector.broadcast %and3A_376 : i32 to vector<16xi32>
          %and3A_378 = arith.andi %bitcast_convert_type3A, %and3A_377 : vector<16xi32>
          %or3A_379 = arith.constant 1065353216 : i32
          %or3A_380 = vector.broadcast %or3A_379 : i32 to vector<16xi32>
          %or3A_381 = arith.ori %and3A_378, %or3A_380 : vector<16xi32>
          %bitcast_convert_type3A_382 = tpu.bitcast %or3A_381 : vector<16xi32> -> vector<16xf32>
          %ge3A_383 = arith.constant 1.41421354 : f32
          %ge3A_384 = vector.broadcast %ge3A_383 : f32 to vector<16xf32>
          %ge3A_385 = arith.cmpf oge, %bitcast_convert_type3A_382, %ge3A_384 : vector<16xf32>
          %mul3A_386 = arith.constant 5.000000e-01 : f32
          %mul3A_387 = vector.broadcast %mul3A_386 : f32 to vector<16xf32>
          %mul3A_388 = arith.mulf %mul3A_387, %bitcast_convert_type3A_382 : vector<16xf32>
          %select_n3A_389 = arith.select %ge3A_385, %mul3A_388, %bitcast_convert_type3A_382 : vector<16xi1>, vector<16xf32>
          %convert_element_type3A_390 = arith.sitofp %sub3A_375 : vector<16xi32> to vector<16xf32>
          %jit3A = arith.constant 1.000000e+00 : f32
          %jit3A_391 = arith.constant 0.000000e+00 : f32
          %broadcast_in_dim3A_392 = vector.broadcast %jit3A : f32 to vector<16xf32>
          %broadcast_in_dim3A_393 = vector.broadcast %jit3A_391 : f32 to vector<16xf32>
          %select_n3A_394 = arith.select %ge3A_385, %broadcast_in_dim3A_392, %broadcast_in_dim3A_393 : vector<16xi1>, vector<16xf32>
          %add3A_395 = arith.addf %convert_element_type3A_390, %select_n3A_394 : vector<16xf32>
          %sub3A_396 = arith.constant 1.000000e+00 : f32
          %sub3A_397 = vector.broadcast %sub3A_396 : f32 to vector<16xf32>
          %sub3A_398 = arith.subf %select_n3A_389, %sub3A_397 : vector<16xf32>
          %broadcast_in_dim3A_399 = arith.constant 0.117846139 : f32
          %broadcast_in_dim3A_400 = vector.broadcast %broadcast_in_dim3A_399 : f32 to vector<16xf32>
          %mul3A_401 = arith.mulf %broadcast_in_dim3A_400, %sub3A_398 : vector<16xf32>
          %add3A_402 = arith.constant -0.184560895 : f32
          %add3A_403 = vector.broadcast %add3A_402 : f32 to vector<16xf32>
          %add3A_404 = arith.addf %mul3A_401, %add3A_403 : vector<16xf32>
          %mul3A_405 = arith.mulf %add3A_404, %sub3A_398 : vector<16xf32>
          %add3A_406 = arith.constant 0.204554603 : f32
          %add3A_407 = vector.broadcast %add3A_406 : f32 to vector<16xf32>
          %add3A_408 = arith.addf %mul3A_405, %add3A_407 : vector<16xf32>
          %mul3A_409 = arith.mulf %add3A_408, %sub3A_398 : vector<16xf32>
          %add3A_410 = arith.constant -0.249294847 : f32
          %add3A_411 = vector.broadcast %add3A_410 : f32 to vector<16xf32>
          %add3A_412 = arith.addf %mul3A_409, %add3A_411 : vector<16xf32>
          %mul3A_413 = arith.mulf %add3A_412, %sub3A_398 : vector<16xf32>
          %add3A_414 = arith.constant 0.333179295 : f32
          %add3A_415 = vector.broadcast %add3A_414 : f32 to vector<16xf32>
          %add3A_416 = arith.addf %mul3A_413, %add3A_415 : vector<16xf32>
          %mul3A_417 = arith.mulf %add3A_416, %sub3A_398 : vector<16xf32>
          %add3A_418 = arith.constant -0.500007331 : f32
          %add3A_419 = vector.broadcast %add3A_418 : f32 to vector<16xf32>
          %add3A_420 = arith.addf %mul3A_417, %add3A_419 : vector<16xf32>
          %mul3A_421 = arith.mulf %add3A_420, %sub3A_398 : vector<16xf32>
          %add3A_422 = arith.constant 1.00000072 : f32
          %add3A_423 = vector.broadcast %add3A_422 : f32 to vector<16xf32>
          %add3A_424 = arith.addf %mul3A_421, %add3A_423 : vector<16xf32>
          %mul3A_425 = arith.constant 0.693147182 : f32
          %mul3A_426 = vector.broadcast %mul3A_425 : f32 to vector<16xf32>
          %mul3A_427 = arith.mulf %add3A_395, %mul3A_426 : vector<16xf32>
          %mul3A_428 = arith.mulf %sub3A_398, %add3A_424 : vector<16xf32>
          %add3A_429 = arith.addf %mul3A_427, %mul3A_428 : vector<16xf32>
          %max3A = arith.constant -1.000000e+02 : f32
          %max3A_430 = vector.broadcast %max3A : f32 to vector<16xf32>
          %max3A_431 = arith.maximumf %add3A_429, %max3A_430 : vector<16xf32>
          %lt3A = arith.constant 1.17549435E-38 : f32
          %lt3A_432 = vector.broadcast %lt3A : f32 to vector<16xf32>
          %lt3A_433 = arith.cmpf olt, %select_n3A_370, %lt3A_432 : vector<16xf32>
          %jit3A_434 = arith.constant -1.000000e+02 : f32
          %broadcast_in_dim3A_435 = vector.broadcast %jit3A_434 : f32 to vector<16xf32>
          %select_n3A_436 = arith.select %lt3A_433, %broadcast_in_dim3A_435, %max3A_431 : vector<16xi1>, vector<16xf32>
          %neg3A = arith.constant 0.000000e+00 : f32
          %neg3A_437 = vector.broadcast %neg3A : f32 to vector<16xf32>
          %neg3A_438 = arith.subf %neg3A_437, %select_n3A_436 : vector<16xf32>
          %jit3A_439 = arith.constant 0.000000e+00 : f32
          %broadcast_in_dim3A_440 = vector.broadcast %jit3A_439 : f32 to vector<16xf32>
          %select_n3A_441 = arith.select %or3A_366, %neg3A_438, %broadcast_in_dim3A_440 : vector<16xi1>, vector<16xf32>
          %jit3A_442 = arith.constant 1.000000e+00 : f32
          %jit3A_443 = arith.constant 0.000000e+00 : f32
          %broadcast_in_dim3A_444 = vector.broadcast %jit3A_442 : f32 to vector<16xf32>
          %broadcast_in_dim3A_445 = vector.broadcast %jit3A_443 : f32 to vector<16xf32>
          %select_n3A_446 = arith.select %or3A_366, %broadcast_in_dim3A_444, %broadcast_in_dim3A_445 : vector<16xi1>, vector<16xf32>
          %add3A_447 = arith.addf %scan3A_349, %select_n3A_441 : vector<16xf32>
          %add3A_448 = arith.addf %scan3A_350, %select_n3A_446 : vector<16xf32>
          scf.yield %add3A_447, %add3A_448 : vector<16xf32>, vector<16xf32>
        }
        %scan3A_252 = arith.constant 128 : i32
        %get3A = arith.constant 0 : index
        %get3A_253 = tpu.vector_load %arg5[%get3A] {strides = array<i32>} : memref<16xf32, #tpu.memory_space<vmem>>, vector<16xf32>,
        %add3A_254 = arith.addf %get3A_253, %scan3A_251#0 : vector<16xf32>
        %swap3A_255 = arith.constant 0 : index
        %swap3A_256 = tpu.vector_load %arg5[%swap3A_255] {strides = array<i32>} : memref<16xf32, #tpu.memory_space<vmem>>, vector<16xf32>,
        tpu.vector_store %arg5[%swap3A_255], %add3A_254 {strides = array<i32>} : memref<16xf32, #tpu.memory_space<vmem>>, vector<16xf32>,
        %get3A_257 = arith.constant 0 : index
        %get3A_258 = tpu.vector_load %arg6[%get3A_257] {strides = array<i32>} : memref<16xf32, #tpu.memory_space<vmem>>, vector<16xf32>,
        %add3A_259 = arith.addf %get3A_258, %scan3A_251#1 : vector<16xf32>
        %swap3A_260 = arith.constant 0 : index
        %swap3A_261 = tpu.vector_load %arg6[%swap3A_260] {strides = array<i32>} : memref<16xf32, #tpu.memory_space<vmem>>, vector<16xf32>,
        tpu.vector_store %arg6[%swap3A_260], %add3A_259 {strides = array<i32>} : memref<16xf32, #tpu.memory_space<vmem>>, vector<16xf32>,
        "tpu.trace_stop"() : () -> ()
        %add3A_262 = arith.constant 480 : i32
        %add3A_263 = arith.addi %add3A_152, %add3A_262 : i32
        %add3A_264 = arith.constant 480 : i32
        %add3A_265 = arith.addi %add3A_170, %add3A_264 : i32
        %ne3A_266 = arith.cmpi ne, %add3A_263, %add3A_265 : i32
        %or3A_267 = arith.constant false
        %or3A_268 = arith.ori %or3A_267, %ne3A_266 : i1
        %or3A_269 = arith.ori %or3A_268, %eq3A_151 : i1
        %convert_element_type3A_270 = arith.extui %or3A_269 : i1 to i32
        %cond3A_271 = arith.constant 0 : i32
        %cond3A_272 = arith.cmpi ne, %convert_element_type3A_270, %cond3A_271 : i32
        scf.if %cond3A_272 {
        } else {
        }
        %and3A_273 = arith.constant false
        %and3A_274 = arith.andi %or3A_269, %and3A_273 : i1
        %add3A_275 = arith.constant 480 : i32
        %add3A_276 = arith.addi %add3A_152, %add3A_275 : i32
        %add3A_277 = arith.constant 480 : i32
        %add3A_278 = arith.addi %add3A_170, %add3A_277 : i32
        %ne3A_279 = arith.cmpi ne, %add3A_276, %add3A_278 : i32
        %or3A_280 = arith.constant false
        %or3A_281 = arith.ori %or3A_280, %ne3A_279 : i1
        %or3A_282 = arith.ori %or3A_281, %eq3A_151 : i1
        %convert_element_type3A_283 = arith.extui %or3A_282 : i1 to i32
        %cond3A_284 = arith.constant 0 : i32
        %cond3A_285 = arith.cmpi ne, %convert_element_type3A_283, %cond3A_284 : i32
        scf.if %cond3A_285 {
        } else {
        }
        %and3A_286 = arith.constant false
        %and3A_287 = arith.andi %or3A_282, %and3A_286 : i1
        %add3A_288 = arith.constant 480 : i32
        %add3A_289 = arith.addi %add3A_152, %add3A_288 : i32
        %add3A_290 = arith.constant 480 : i32
        %add3A_291 = arith.addi %add3A_161, %add3A_290 : i32
        %ne3A_292 = arith.cmpi ne, %add3A_289, %add3A_291 : i32
        %or3A_293 = arith.constant false
        %or3A_294 = arith.ori %or3A_293, %ne3A_292 : i1
        %not3A_295 = arith.constant true
        %not3A_296 = arith.xori %eq3A_149, %not3A_295 : i1
        %and3A_297 = arith.andi %or3A_294, %not3A_296 : i1
        %convert_element_type3A_298 = arith.extui %and3A_297 : i1 to i32
        %cond3A_299 = arith.constant 0 : i32
        %cond3A_300 = arith.cmpi ne, %convert_element_type3A_298, %cond3A_299 : i32
        scf.if %cond3A_300 {
        } else {
        }
        %and3A_301 = arith.constant false
        %and3A_302 = arith.andi %and3A_297, %and3A_301 : i1
        %add3A_303 = arith.constant 480 : i32
        %add3A_304 = arith.addi %add3A_152, %add3A_303 : i32
        %add3A_305 = arith.constant 480 : i32
        %add3A_306 = arith.addi %add3A_161, %add3A_305 : i32
        %ne3A_307 = arith.cmpi ne, %add3A_304, %add3A_306 : i32
        %or3A_308 = arith.constant false
        %or3A_309 = arith.ori %or3A_308, %ne3A_307 : i1
        %not3A_310 = arith.constant true
        %not3A_311 = arith.xori %eq3A_149, %not3A_310 : i1
        %and3A_312 = arith.andi %or3A_309, %not3A_311 : i1
        %convert_element_type3A_313 = arith.extui %and3A_312 : i1 to i32
        %cond3A_314 = arith.constant 0 : i32
        %cond3A_315 = arith.cmpi ne, %convert_element_type3A_313, %cond3A_314 : i32
        scf.if %cond3A_315 {
        } else {
        }
        %and3A_316 = arith.constant false
        %and3A_317 = arith.andi %and3A_312, %and3A_316 : i1
        %add3A_318 = arith.constant 480 : i32
        %add3A_319 = arith.addi %add3A_152, %add3A_318 : i32
        %add3A_320 = arith.constant 480 : i32
        %add3A_321 = arith.addi %add3A_170, %add3A_320 : i32
        %ne3A_322 = arith.cmpi ne, %add3A_319, %add3A_321 : i32
        %or3A_323 = arith.constant false
        %or3A_324 = arith.ori %or3A_323, %ne3A_322 : i1
        %or3A_325 = arith.ori %or3A_324, %eq3A_151 : i1
        %add3A_326 = arith.constant 1 : i32
        %add3A_327 = arith.addi %scan3A_144, %add3A_326 : i32
        %select_n3A_328 = arith.select %or3A_325, %add3A_327, %scan3A_144 : i32
        %add3A_329 = arith.constant 480 : i32
        %add3A_330 = arith.addi %add3A_152, %add3A_329 : i32
        %add3A_331 = arith.constant 480 : i32
        %add3A_332 = arith.addi %add3A_170, %add3A_331 : i32
        %ne3A_333 = arith.cmpi ne, %add3A_330, %add3A_332 : i32
        %or3A_334 = arith.constant false
        %or3A_335 = arith.ori %or3A_334, %ne3A_333 : i1
        %or3A_336 = arith.ori %or3A_335, %eq3A_151 : i1
        %add3A_337 = arith.constant 1 : i32
        %add3A_338 = arith.addi %scan3A_146, %add3A_337 : i32
        %select_n3A_339 = arith.select %or3A_336, %add3A_338, %scan3A_146 : i32
        %add3A_340 = arith.constant 1 : i32
        %add3A_341 = arith.addi %scan3A_147, %add3A_340 : i32
        %select_n3A_342 = arith.constant true
        %select_n3A_343 = arith.select %select_n3A_342, %add3A_341, %scan3A_147 : i32
        %eq3A_344 = arith.constant 2 : i32
        %eq3A_345 = arith.cmpi eq, %select_n3A_343, %eq3A_344 : i32
        %select_n3A_346 = arith.constant 0 : i32
        %select_n3A_347 = arith.select %eq3A_345, %select_n3A_346, %select_n3A_343 : i32
        scf.yield %select_n3A_194, %select_n3A_328, %select_n3A_214, %select_n3A_339, %select_n3A_347 : i32, i32, i32, i32, i32
      }
      %scan3A_106 = arith.constant 2 : i32
      %sub3A = arith.constant 1 : i32
      %sub3A_107 = arith.subi %scan3A_105#4, %sub3A : i32
      %select_n3A_108 = arith.constant true
      %select_n3A_109 = arith.select %select_n3A_108, %sub3A_107, %scan3A_105#4 : i32
      %eq3A_110 = arith.constant -1 : i32
      %eq3A_111 = arith.cmpi eq, %select_n3A_109, %eq3A_110 : i32
      %select_n3A_112 = arith.constant 1 : i32
      %select_n3A_113 = arith.select %eq3A_111, %select_n3A_112, %select_n3A_109 : i32
      %add3A_114 = arith.addi %select_n3A_113, %mul3A_12 : i32
      %sub3A_115 = arith.constant 1 : i32
      %sub3A_116 = arith.subi %select_n3A_113, %sub3A_115 : i32
      %select_n3A_117 = arith.constant true
      %select_n3A_118 = arith.select %select_n3A_117, %sub3A_116, %select_n3A_113 : i32
      %eq3A_119 = arith.constant -1 : i32
      %eq3A_120 = arith.cmpi eq, %select_n3A_118, %eq3A_119 : i32
      %select_n3A_121 = arith.constant 1 : i32
      %select_n3A_122 = arith.select %eq3A_120, %select_n3A_121, %select_n3A_118 : i32
      %add3A_123 = arith.addi %select_n3A_122, %mul3A_12 : i32
      %add3A_124 = arith.constant 1 : i32
      %add3A_125 = arith.addi %select_n3A_113, %add3A_124 : i32
      %select_n3A_126 = arith.constant true
      %select_n3A_127 = arith.select %select_n3A_126, %add3A_125, %select_n3A_113 : i32
      %eq3A_128 = arith.constant 2 : i32
      %eq3A_129 = arith.cmpi eq, %select_n3A_127, %eq3A_128 : i32
      %select_n3A_130 = arith.constant 0 : i32
      %select_n3A_131 = arith.select %eq3A_129, %select_n3A_130, %select_n3A_127 : i32
      %add3A_132 = arith.addi %select_n3A_131, %mul3A_12 : i32
      %add3A_133 = arith.constant 1 : i32
      %add3A_134 = arith.addi %select_n3A_131, %add3A_133 : i32
      %select_n3A_135 = arith.constant true
      %select_n3A_136 = arith.select %select_n3A_135, %add3A_134, %select_n3A_131 : i32
      %eq3A_137 = arith.constant 2 : i32
      %eq3A_138 = arith.cmpi eq, %select_n3A_136, %eq3A_137 : i32
      %select_n3A_139 = arith.constant 0 : i32
      %select_n3A_140 = arith.select %eq3A_138, %select_n3A_139, %select_n3A_136 : i32
      %add3A_141 = arith.addi %select_n3A_140, %mul3A_12 : i32
      tpu.yield
    }) : () -> ()
    %mul3A_13 = arith.constant 1 : i32
    %mul3A_14 = arith.muli %arg1, %mul3A_13 : i32
    %add3A_15 = arith.addi %mul3A_14, %arg0 : i32
    %mul3A_16 = arith.constant 16 : i32
    %mul3A_17 = arith.muli %add3A_15, %mul3A_16 : i32
    %run_scoped3A = arith.constant 0 : i32
    "tpu.region"() ({
      %run_scoped3A_23 = tpu.sem_alloc : memref<!tpu.dma_semaphore, #tpu.memory_space<semaphore_mem>>
      %dma_start3A = tpu.memref_slice %arg7[%run_scoped3A, %mul3A_17] : memref<2x256xf32, #tpu.memory_space<vmem_shared>> -> memref<1x16xf32, #tpu.memory_space<vmem_shared>>
      %dma_start3A_24 = tpu.memref_squeeze %dma_start3A : memref<1x16xf32, #tpu.memory_space<vmem_shared>> -> memref<16xf32, #tpu.memory_space<vmem_shared>>
      %dma_start3A_25 = tpu.memref_slice %arg7[%run_scoped3A, %mul3A_17] : memref<2x256xf32, #tpu.memory_space<vmem_shared>> -> memref<1x16xf32, #tpu.memory_space<vmem_shared>>
      %dma_start3A_26 = tpu.memref_squeeze %dma_start3A_25 : memref<1x16xf32, #tpu.memory_space<vmem_shared>> -> memref<16xf32, #tpu.memory_space<vmem_shared>>
      tpu.enqueue_dma source(%arg5 : memref<16xf32, #tpu.memory_space<vmem>>) target(%dma_start3A_26 : memref<16xf32, #tpu.memory_space<vmem_shared>>) target_semaphore(%run_scoped3A_23 : memref<!tpu.dma_semaphore, #tpu.memory_space<semaphore_mem>>)
      %dma_wait3A = tpu.memref_slice %arg7[%run_scoped3A, %mul3A_17] : memref<2x256xf32, #tpu.memory_space<vmem_shared>> -> memref<1x16xf32, #tpu.memory_space<vmem_shared>>
      %dma_wait3A_27 = tpu.memref_squeeze %dma_wait3A : memref<1x16xf32, #tpu.memory_space<vmem_shared>> -> memref<16xf32, #tpu.memory_space<vmem_shared>>
      %dma_wait3A_28 = tpu.memref_slice %arg7[%run_scoped3A, %mul3A_17] : memref<2x256xf32, #tpu.memory_space<vmem_shared>> -> memref<1x16xf32, #tpu.memory_space<vmem_shared>>
      %dma_wait3A_29 = tpu.memref_squeeze %dma_wait3A_28 : memref<1x16xf32, #tpu.memory_space<vmem_shared>> -> memref<16xf32, #tpu.memory_space<vmem_shared>>
      tpu.wait_dma2 semaphore(%run_scoped3A_23 : memref<!tpu.dma_semaphore, #tpu.memory_space<semaphore_mem>>) src(%arg5 : memref<16xf32, #tpu.memory_space<vmem>>) dst(%dma_wait3A_29 : memref<16xf32, #tpu.memory_space<vmem_shared>>)
      tpu.yield
    }) : () -> ()
    %mul3A_18 = arith.constant 16 : i32
    %mul3A_19 = arith.muli %add3A_15, %mul3A_18 : i32
    %run_scoped3A_20 = arith.constant 1 : i32
    "tpu.region"() ({
      %run_scoped3A_23 = tpu.sem_alloc : memref<!tpu.dma_semaphore, #tpu.memory_space<semaphore_mem>>
      %dma_start3A = tpu.memref_slice %arg7[%run_scoped3A_20, %mul3A_19] : memref<2x256xf32, #tpu.memory_space<vmem_shared>> -> memref<1x16xf32, #tpu.memory_space<vmem_shared>>
      %dma_start3A_24 = tpu.memref_squeeze %dma_start3A : memref<1x16xf32, #tpu.memory_space<vmem_shared>> -> memref<16xf32, #tpu.memory_space<vmem_shared>>
      %dma_start3A_25 = tpu.memref_slice %arg7[%run_scoped3A_20, %mul3A_19] : memref<2x256xf32, #tpu.memory_space<vmem_shared>> -> memref<1x16xf32, #tpu.memory_space<vmem_shared>>
      %dma_start3A_26 = tpu.memref_squeeze %dma_start3A_25 : memref<1x16xf32, #tpu.memory_space<vmem_shared>> -> memref<16xf32, #tpu.memory_space<vmem_shared>>
      tpu.enqueue_dma source(%arg6 : memref<16xf32, #tpu.memory_space<vmem>>) target(%dma_start3A_26 : memref<16xf32, #tpu.memory_space<vmem_shared>>) target_semaphore(%run_scoped3A_23 : memref<!tpu.dma_semaphore, #tpu.memory_space<semaphore_mem>>)
      %dma_wait3A = tpu.memref_slice %arg7[%run_scoped3A_20, %mul3A_19] : memref<2x256xf32, #tpu.memory_space<vmem_shared>> -> memref<1x16xf32, #tpu.memory_space<vmem_shared>>
      %dma_wait3A_27 = tpu.memref_squeeze %dma_wait3A : memref<1x16xf32, #tpu.memory_space<vmem_shared>> -> memref<16xf32, #tpu.memory_space<vmem_shared>>
      %dma_wait3A_28 = tpu.memref_slice %arg7[%run_scoped3A_20, %mul3A_19] : memref<2x256xf32, #tpu.memory_space<vmem_shared>> -> memref<1x16xf32, #tpu.memory_space<vmem_shared>>
      %dma_wait3A_29 = tpu.memref_squeeze %dma_wait3A_28 : memref<1x16xf32, #tpu.memory_space<vmem_shared>> -> memref<16xf32, #tpu.memory_space<vmem_shared>>
      tpu.wait_dma2 semaphore(%run_scoped3A_23 : memref<!tpu.dma_semaphore, #tpu.memory_space<semaphore_mem>>) src(%arg6 : memref<16xf32, #tpu.memory_space<vmem>>) dst(%dma_wait3A_29 : memref<16xf32, #tpu.memory_space<vmem_shared>>)
      tpu.yield
    }) : () -> ()
    %barrier3A = arith.constant 0 : index
    tpu.barrier barrier_id(%barrier3A)
    %eq3A = arith.constant 0 : i32
    %eq3A_21 = arith.cmpi eq, %add3A_15, %eq3A : i32
    %convert_element_type3A = arith.extui %eq3A_21 : i1 to i32
    %cond3A = arith.constant 0 : i32
    %cond3A_22 = arith.cmpi ne, %convert_element_type3A, %cond3A : i32
    scf.if %cond3A_22 {
      %broadcast_in_dim3A_23 = arith.constant 0.000000e+00 : f32
      %broadcast_in_dim3A_24 = vector.broadcast %broadcast_in_dim3A_23 : f32 to vector<16xf32>
      %run_scoped3A_25 = arith.constant 0 : i32
      "tpu.region"() ({
        %run_scoped3A_57 = tpu.sem_alloc : memref<!tpu.dma_semaphore, #tpu.memory_space<semaphore_mem>>
        %dma_start3A = arith.constant 0 : i32
        %dma_start3A_58 = tpu.memref_slice %arg7[%run_scoped3A_25, %dma_start3A] : memref<2x256xf32, #tpu.memory_space<vmem_shared>> -> memref<1x256xf32, #tpu.memory_space<vmem_shared>>
        %dma_start3A_59 = tpu.memref_squeeze %dma_start3A_58 : memref<1x256xf32, #tpu.memory_space<vmem_shared>> -> memref<256xf32, #tpu.memory_space<vmem_shared>>
        %dma_start3A_60 = arith.constant 0 : i32
        %dma_start3A_61 = tpu.memref_slice %arg7[%run_scoped3A_25, %dma_start3A_60] : memref<2x256xf32, #tpu.memory_space<vmem_shared>> -> memref<1x256xf32, #tpu.memory_space<vmem_shared>>
        %dma_start3A_62 = tpu.memref_squeeze %dma_start3A_61 : memref<1x256xf32, #tpu.memory_space<vmem_shared>> -> memref<256xf32, #tpu.memory_space<vmem_shared>>
        tpu.enqueue_dma source(%dma_start3A_62 : memref<256xf32, #tpu.memory_space<vmem_shared>>) target(%arg8 : memref<256xf32, #tpu.memory_space<vmem>>) target_semaphore(%run_scoped3A_57 : memref<!tpu.dma_semaphore, #tpu.memory_space<semaphore_mem>>)
        %dma_wait3A = arith.constant 0 : i32
        %dma_wait3A_63 = tpu.memref_slice %arg7[%run_scoped3A_25, %dma_wait3A] : memref<2x256xf32, #tpu.memory_space<vmem_shared>> -> memref<1x256xf32, #tpu.memory_space<vmem_shared>>
        %dma_wait3A_64 = tpu.memref_squeeze %dma_wait3A_63 : memref<1x256xf32, #tpu.memory_space<vmem_shared>> -> memref<256xf32, #tpu.memory_space<vmem_shared>>
        %dma_wait3A_65 = arith.constant 0 : i32
        %dma_wait3A_66 = tpu.memref_slice %arg7[%run_scoped3A_25, %dma_wait3A_65] : memref<2x256xf32, #tpu.memory_space<vmem_shared>> -> memref<1x256xf32, #tpu.memory_space<vmem_shared>>
        %dma_wait3A_67 = tpu.memref_squeeze %dma_wait3A_66 : memref<1x256xf32, #tpu.memory_space<vmem_shared>> -> memref<256xf32, #tpu.memory_space<vmem_shared>>
        tpu.wait_dma2 semaphore(%run_scoped3A_57 : memref<!tpu.dma_semaphore, #tpu.memory_space<semaphore_mem>>) src(%dma_wait3A_67 : memref<256xf32, #tpu.memory_space<vmem_shared>>) dst(%arg8 : memref<256xf32, #tpu.memory_space<vmem>>)
        tpu.yield
      }) : () -> ()
      %scan3A = arith.constant 0 : i32
      %scan3A_26 = arith.constant 16 : i32
      %scan3A_27 = arith.addi %scan3A, %scan3A_26 : i32
      %scan3A_28 = arith.constant 1 : i32
      %scan3A_29 = scf.for %scan3A_57 = %scan3A to %scan3A_27 step %scan3A_28 iter_args(%scan3A_58 = %broadcast_in_dim3A_24) -> (vector<16xf32>)  : i32 {
        %mul3A_59 = arith.constant 16 : i32
        %mul3A_60 = arith.muli %scan3A_57, %mul3A_59 : i32
        %get3A = arith.index_cast %mul3A_60 : i32 to index
        %get3A_61 = tpu.vector_load %arg8[%get3A] {strides = array<i32>} : memref<256xf32, #tpu.memory_space<vmem>>, vector<16xf32>,
        %add3A_62 = arith.addf %scan3A_58, %get3A_61 : vector<16xf32>
        scf.yield %add3A_62 : vector<16xf32>
      }
      %scan3A_30 = arith.constant 16 : i32
      %reduce_sum3A = arith.constant true
      %reduce_sum3A_31 = vector.broadcast %reduce_sum3A : i1 to vector<16xi1>
      %reduce_sum3A_32 = tpu.scan <sum>, %scan3A_29 masked %reduce_sum3A_31 : vector<16xf32>, vector<16xi1> -> vector<16xf32>
      %reduce_sum3A_33 = vector.extract %reduce_sum3A_32[15] : f32 from vector<16xf32>
      %run_scoped3A_34 = arith.constant 1 : i32
      "tpu.region"() ({
        %run_scoped3A_57 = tpu.sem_alloc : memref<!tpu.dma_semaphore, #tpu.memory_space<semaphore_mem>>
        %dma_start3A = arith.constant 0 : i32
        %dma_start3A_58 = tpu.memref_slice %arg7[%run_scoped3A_34, %dma_start3A] : memref<2x256xf32, #tpu.memory_space<vmem_shared>> -> memref<1x256xf32, #tpu.memory_space<vmem_shared>>
        %dma_start3A_59 = tpu.memref_squeeze %dma_start3A_58 : memref<1x256xf32, #tpu.memory_space<vmem_shared>> -> memref<256xf32, #tpu.memory_space<vmem_shared>>
        %dma_start3A_60 = arith.constant 0 : i32
        %dma_start3A_61 = tpu.memref_slice %arg7[%run_scoped3A_34, %dma_start3A_60] : memref<2x256xf32, #tpu.memory_space<vmem_shared>> -> memref<1x256xf32, #tpu.memory_space<vmem_shared>>
        %dma_start3A_62 = tpu.memref_squeeze %dma_start3A_61 : memref<1x256xf32, #tpu.memory_space<vmem_shared>> -> memref<256xf32, #tpu.memory_space<vmem_shared>>
        tpu.enqueue_dma source(%dma_start3A_62 : memref<256xf32, #tpu.memory_space<vmem_shared>>) target(%arg8 : memref<256xf32, #tpu.memory_space<vmem>>) target_semaphore(%run_scoped3A_57 : memref<!tpu.dma_semaphore, #tpu.memory_space<semaphore_mem>>)
        %dma_wait3A = arith.constant 0 : i32
        %dma_wait3A_63 = tpu.memref_slice %arg7[%run_scoped3A_34, %dma_wait3A] : memref<2x256xf32, #tpu.memory_space<vmem_shared>> -> memref<1x256xf32, #tpu.memory_space<vmem_shared>>
        %dma_wait3A_64 = tpu.memref_squeeze %dma_wait3A_63 : memref<1x256xf32, #tpu.memory_space<vmem_shared>> -> memref<256xf32, #tpu.memory_space<vmem_shared>>
        %dma_wait3A_65 = arith.constant 0 : i32
        %dma_wait3A_66 = tpu.memref_slice %arg7[%run_scoped3A_34, %dma_wait3A_65] : memref<2x256xf32, #tpu.memory_space<vmem_shared>> -> memref<1x256xf32, #tpu.memory_space<vmem_shared>>
        %dma_wait3A_67 = tpu.memref_squeeze %dma_wait3A_66 : memref<1x256xf32, #tpu.memory_space<vmem_shared>> -> memref<256xf32, #tpu.memory_space<vmem_shared>>
        tpu.wait_dma2 semaphore(%run_scoped3A_57 : memref<!tpu.dma_semaphore, #tpu.memory_space<semaphore_mem>>) src(%dma_wait3A_67 : memref<256xf32, #tpu.memory_space<vmem_shared>>) dst(%arg8 : memref<256xf32, #tpu.memory_space<vmem>>)
        tpu.yield
      }) : () -> ()
      %scan3A_35 = arith.constant 0 : i32
      %scan3A_36 = arith.constant 16 : i32
      %scan3A_37 = arith.addi %scan3A_35, %scan3A_36 : i32
      %scan3A_38 = arith.constant 1 : i32
      %scan3A_39 = scf.for %scan3A_57 = %scan3A_35 to %scan3A_37 step %scan3A_38 iter_args(%scan3A_58 = %broadcast_in_dim3A_24) -> (vector<16xf32>)  : i32 {
        %mul3A_59 = arith.constant 16 : i32
        %mul3A_60 = arith.muli %scan3A_57, %mul3A_59 : i32
        %get3A = arith.index_cast %mul3A_60 : i32 to index
        %get3A_61 = tpu.vector_load %arg8[%get3A] {strides = array<i32>} : memref<256xf32, #tpu.memory_space<vmem>>, vector<16xf32>,
        %add3A_62 = arith.addf %scan3A_58, %get3A_61 : vector<16xf32>
        scf.yield %add3A_62 : vector<16xf32>
      }
      %scan3A_40 = arith.constant 16 : i32
      %reduce_sum3A_41 = arith.constant true
      %reduce_sum3A_42 = vector.broadcast %reduce_sum3A_41 : i1 to vector<16xi1>
      %reduce_sum3A_43 = tpu.scan <sum>, %scan3A_39 masked %reduce_sum3A_42 : vector<16xf32>, vector<16xi1> -> vector<16xf32>
      %reduce_sum3A_44 = vector.extract %reduce_sum3A_43[15] : f32 from vector<16xf32>
      %iota3A = tpu.iota {dimensions = array<i32: 0>} : vector<16xi32>
      %eq3A_45 = arith.constant 0 : i32
      %eq3A_46 = vector.broadcast %eq3A_45 : i32 to vector<16xi32>
      %eq3A_47 = arith.cmpi eq, %iota3A, %eq3A_46 : vector<16xi32>
      %eq3A_48 = arith.constant 1 : i32
      %eq3A_49 = vector.broadcast %eq3A_48 : i32 to vector<16xi32>
      %eq3A_50 = arith.cmpi eq, %iota3A, %eq3A_49 : vector<16xi32>
      %jit3A = arith.constant 0.000000e+00 : f32
      %broadcast_in_dim3A_51 = vector.broadcast %reduce_sum3A_44 : f32 to vector<16xf32>
      %broadcast_in_dim3A_52 = vector.broadcast %jit3A : f32 to vector<16xf32>
      %select_n3A = arith.select %eq3A_50, %broadcast_in_dim3A_51, %broadcast_in_dim3A_52 : vector<16xi1>, vector<16xf32>
      %broadcast_in_dim3A_53 = vector.broadcast %reduce_sum3A_33 : f32 to vector<16xf32>
      %select_n3A_54 = arith.select %eq3A_47, %broadcast_in_dim3A_53, %select_n3A : vector<16xi1>, vector<16xf32>
      %swap3A_55 = arith.constant 0 : index
      %swap3A_56 = tpu.vector_load %arg5[%swap3A_55] {strides = array<i32>} : memref<16xf32, #tpu.memory_space<vmem>>, vector<16xf32>,
      tpu.vector_store %arg5[%swap3A_55], %select_n3A_54 {strides = array<i32>} : memref<16xf32, #tpu.memory_space<vmem>>, vector<16xf32>,
      "tpu.region"() ({
        %run_scoped3A_57 = tpu.sem_alloc : memref<!tpu.dma_semaphore, #tpu.memory_space<semaphore_mem>>
        tpu.enqueue_dma source(%arg5 : memref<16xf32, #tpu.memory_space<vmem>>) target(%arg4 : memref<16xf32, #tpu.memory_space<hbm>>) target_semaphore(%run_scoped3A_57 : memref<!tpu.dma_semaphore, #tpu.memory_space<semaphore_mem>>)
        tpu.wait_dma2 semaphore(%run_scoped3A_57 : memref<!tpu.dma_semaphore, #tpu.memory_space<semaphore_mem>>) src(%arg5 : memref<16xf32, #tpu.memory_space<vmem>>) dst(%arg4 : memref<16xf32, #tpu.memory_space<hbm>>)
        tpu.yield
      }) : () -> ()
    } else {
    }
    return
  }
}

module attributes {stable_mosaic.version = 14 : i64} {
  func.func @_tc_body(%arg0: i32, %arg1: memref<960x128xf32, #tpu.memory_space<vmem>>, %arg2: memref<960x128xf32, #tpu.memory_space<vmem>>, %arg3: memref<1x1xf32, #tpu.memory_space<smem>>, %arg4: memref<1x1xf32, #tpu.memory_space<smem>>, %arg5: memref<2xf32, #tpu.memory_space<smem>>) attributes {dimension_semantics = [#tpu.dimension_semantics<arbitrary>], iteration_bounds = array<i64: 8>, scalar_prefetch = 0 : i64, scratch_operands = 1 : i64, tpu.core_type = #tpu.core_type<tc>, window_params = [{transform_indices = @transform_0, window_bounds = array<i64: 960, 128>}, {transform_indices = @transform_1, window_bounds = array<i64: 960, 128>}, {transform_indices = @transform_2, window_bounds = array<i64: 1, 1>}, {transform_indices = @transform_3, window_bounds = array<i64: 1, 1>}]} {
    %get3A = arith.constant 0 : index
    %get3A_0 = arith.constant 0 : index
    %get3A_1 = vector.load %arg1[%get3A, %get3A_0] : memref<960x128xf32, #tpu.memory_space<vmem>>, vector<960x128xf32>
    %get3A_2 = arith.constant 0 : index
    %get3A_3 = arith.constant 0 : index
    %get3A_4 = vector.load %arg2[%get3A_2, %get3A_3] : memref<960x128xf32, #tpu.memory_space<vmem>>, vector<960x128xf32>
    %ge3A = arith.constant 6.000000e-01 : f32
    %ge3A_5 = vector.broadcast %ge3A : f32 to vector<960x128xf32>
    %ge3A_6 = arith.cmpf oge, %get3A_4, %ge3A_5 : vector<960x128xf32>
    %le3A = arith.constant 4.500000e-01 : f32
    %le3A_7 = vector.broadcast %le3A : f32 to vector<960x128xf32>
    %le3A_8 = arith.cmpf ole, %get3A_4, %le3A_7 : vector<960x128xf32>
    %or3A = arith.ori %ge3A_6, %le3A_8 : vector<960x128xi1>
    %sub3A = arith.constant 1.000000e+00 : f32
    %sub3A_9 = vector.broadcast %sub3A : f32 to vector<960x128xf32>
    %sub3A_10 = arith.subf %sub3A_9, %get3A_1 : vector<960x128xf32>
    %select_n3A = arith.select %ge3A_6, %get3A_1, %sub3A_10 : vector<960x128xi1>, vector<960x128xf32>
    %log3A = math.log %select_n3A : vector<960x128xf32>
    %max3A = arith.constant -1.000000e+02 : f32
    %max3A_11 = vector.broadcast %max3A : f32 to vector<960x128xf32>
    %max3A_12 = arith.maximumf %log3A, %max3A_11 : vector<960x128xf32>
    %jit3A = arith.constant 0.000000e+00 : f32
    %broadcast_in_dim3A = vector.broadcast %jit3A : f32 to vector<960x128xf32>
    %select_n3A_13 = arith.select %or3A, %max3A_12, %broadcast_in_dim3A : vector<960x128xi1>, vector<960x128xf32>
    %reduce_sum3A = vector.shape_cast %select_n3A_13 : vector<960x128xf32> to vector<1x960x128xf32>
    %reduce_sum3A_14 = arith.constant dense<0.000000e+00> : vector<1xf32>
    %reduce_sum3A_15 = vector.multi_reduction <add>, %reduce_sum3A, %reduce_sum3A_14 [1, 2] : vector<1x960x128xf32> to vector<1xf32>
    %reduce_sum3A_16 = vector.shape_cast %reduce_sum3A_15 : vector<1xf32> to vector<1x1x1xf32>
    %reduce_sum3A_17 = vector.extract %reduce_sum3A_16[0, 0, 0] : f32 from vector<1x1x1xf32>
    %jit3A_18 = arith.constant 1.000000e+00 : f32
    %jit3A_19 = arith.constant 0.000000e+00 : f32
    %broadcast_in_dim3A_20 = vector.broadcast %jit3A_18 : f32 to vector<960x128xf32>
    %broadcast_in_dim3A_21 = vector.broadcast %jit3A_19 : f32 to vector<960x128xf32>
    %select_n3A_22 = arith.select %or3A, %broadcast_in_dim3A_20, %broadcast_in_dim3A_21 : vector<960x128xi1>, vector<960x128xf32>
    %reduce_sum3A_23 = vector.shape_cast %select_n3A_22 : vector<960x128xf32> to vector<1x960x128xf32>
    %reduce_sum3A_24 = arith.constant dense<0.000000e+00> : vector<1xf32>
    %reduce_sum3A_25 = vector.multi_reduction <add>, %reduce_sum3A_23, %reduce_sum3A_24 [1, 2] : vector<1x960x128xf32> to vector<1xf32>
    %reduce_sum3A_26 = vector.shape_cast %reduce_sum3A_25 : vector<1xf32> to vector<1x1x1xf32>
    %reduce_sum3A_27 = vector.extract %reduce_sum3A_26[0, 0, 0] : f32 from vector<1x1x1xf32>
    %eq3A = arith.constant 0 : i32
    %eq3A_28 = arith.cmpi eq, %arg0, %eq3A : i32
    %convert_element_type3A = arith.extui %eq3A_28 : i1 to i32
    %cond3A = arith.constant 0 : i32
    %cond3A_29 = arith.cmpi ne, %convert_element_type3A, %cond3A : i32
    scf.if %cond3A_29 {
      %swap3A_43 = arith.constant 0.000000e+00 : f32
      %swap3A_44 = arith.constant 0 : index
      %swap3A_45 = memref.load %arg5[%swap3A_44] : memref<2xf32, #tpu.memory_space<smem>>
      memref.store %swap3A_43, %arg5[%swap3A_44] : memref<2xf32, #tpu.memory_space<smem>>
      %swap3A_46 = arith.constant 0.000000e+00 : f32
      %swap3A_47 = arith.constant 1 : index
      %swap3A_48 = memref.load %arg5[%swap3A_47] : memref<2xf32, #tpu.memory_space<smem>>
      memref.store %swap3A_46, %arg5[%swap3A_47] : memref<2xf32, #tpu.memory_space<smem>>
    } else {
    }
    %get3A_30 = arith.constant 0 : index
    %get3A_31 = memref.load %arg5[%get3A_30] : memref<2xf32, #tpu.memory_space<smem>>
    %sub3A_32 = arith.subf %get3A_31, %reduce_sum3A_17 : f32
    %swap3A = arith.constant 0 : index
    %swap3A_33 = memref.load %arg5[%swap3A] : memref<2xf32, #tpu.memory_space<smem>>
    memref.store %sub3A_32, %arg5[%swap3A] : memref<2xf32, #tpu.memory_space<smem>>
    %get3A_34 = arith.constant 1 : index
    %get3A_35 = memref.load %arg5[%get3A_34] : memref<2xf32, #tpu.memory_space<smem>>
    %add3A = arith.addf %get3A_35, %reduce_sum3A_27 : f32
    %swap3A_36 = arith.constant 1 : index
    %swap3A_37 = memref.load %arg5[%swap3A_36] : memref<2xf32, #tpu.memory_space<smem>>
    memref.store %add3A, %arg5[%swap3A_36] : memref<2xf32, #tpu.memory_space<smem>>
    %eq3A_38 = arith.constant 7 : i32
    %eq3A_39 = arith.cmpi eq, %arg0, %eq3A_38 : i32
    %convert_element_type3A_40 = arith.extui %eq3A_39 : i1 to i32
    %cond3A_41 = arith.constant 0 : i32
    %cond3A_42 = arith.cmpi ne, %convert_element_type3A_40, %cond3A_41 : i32
    scf.if %cond3A_42 {
      %get3A_43 = arith.constant 0 : index
      %get3A_44 = memref.load %arg5[%get3A_43] : memref<2xf32, #tpu.memory_space<smem>>
      %swap3A_45 = arith.constant 0 : index
      %swap3A_46 = arith.constant 0 : index
      %swap3A_47 = memref.load %arg3[%swap3A_45, %swap3A_46] : memref<1x1xf32, #tpu.memory_space<smem>>
      memref.store %get3A_44, %arg3[%swap3A_45, %swap3A_46] : memref<1x1xf32, #tpu.memory_space<smem>>
      %get3A_48 = arith.constant 1 : index
      %get3A_49 = memref.load %arg5[%get3A_48] : memref<2xf32, #tpu.memory_space<smem>>
      %swap3A_50 = arith.constant 0 : index
      %swap3A_51 = arith.constant 0 : index
      %swap3A_52 = memref.load %arg4[%swap3A_50, %swap3A_51] : memref<1x1xf32, #tpu.memory_space<smem>>
      memref.store %get3A_49, %arg4[%swap3A_50, %swap3A_51] : memref<1x1xf32, #tpu.memory_space<smem>>
    } else {
    }
    return
  }
  func.func @transform_0(%arg0: i32) -> (i32, i32) {
    %c0_i32 = arith.constant 0 : i32
    %c0_i32_0 = arith.constant 0 : i32
    return %arg0, %c0_i32 : i32, i32
  }
  func.func @transform_1(%arg0: i32) -> (i32, i32) {
    %c0_i32 = arith.constant 0 : i32
    %c0_i32_0 = arith.constant 0 : i32
    return %arg0, %c0_i32 : i32, i32
  }
  func.func @transform_2(%arg0: i32) -> (i32, i32) {
    %c0_i32 = arith.constant 0 : i32
    %c0_i32_0 = arith.constant 0 : i32
    %c0_i32_1 = arith.constant 0 : i32
    return %c0_i32, %c0_i32_0 : i32, i32
  }
  func.func @transform_3(%arg0: i32) -> (i32, i32) {
    %c0_i32 = arith.constant 0 : i32
    %c0_i32_0 = arith.constant 0 : i32
    %c0_i32_1 = arith.constant 0 : i32
    return %c0_i32, %c0_i32_0 : i32, i32
  }
}

</mosaic_0001>

<sc_bundles>
// kernel: kernel.4.cloned.1.call-start
scs
__scs_entry_jumppad:
0x0: {  	(pc) =	sbr.rel $0x88, $3  }
0x1: {  	(tag) =	ssettag $0x0;
	lr =	simm.s32 $0x1  }
0x2: {  	[smem:$0x3F9F] =	sst lr;
	_ =	strace $0xD0000000  }
0x3: {  	_ = 	snop  }
0x4: {  	_ = 	snop  }
0x5: {  	_ = 	snop  }
0x6: {  	_ = 	snop  }
0x7: {  	_ = 	snop  }
__scs_overlays_trampoline_lowered:
0x8: {  	[smem:$0x3FAE] =	sst s0  }
0x9: {  	[smem:$0x3FAF] =	sst s1  }
0xa: {  	[smem:$0x3FB0] =	sst s2  }
0xb: {  	[smem:$0x3FB1] =	sst s3  }
0xc: {  	[smem:$0x3FB2] =	sst s4  }
0xd: {  	[smem:$0x3FB3] =	sst s5  }
0xe: {  	[smem:$0x3FB4] =	sst s6  }
0xf: {  	[smem:$0x3FB5] =	sst s7  }
0x10: {  	[smem:$0x3FB6] =	sst s8  }
0x11: {  	[smem:$0x3FB7] =	sst s9;
	s0 =	simm.s32 @!p0 $0x0  }
0x12: {  	s1 =	sld [smem:$0x3F9D];
	s0 =	simm.s32 @p0 $0x1  }
0x13: {  	[smem:$0x3FB8] =	sst s0;
	s0 =	simm.s32 @!p1 $0x0  }
0x14: {  	s2 =	sld [smem:$0x3F9C];
	s0 =	simm.s32 @p1 $0x1  }
0x15: {  	[smem:$0x3FB9] =	sst s0;
	s0 =	simm.s32 @!p2 $0x0  }
0x16: {  	s3 =	sld [smem:$0x3FDB];
	s0 =	simm.s32 @p2 $0x1  }
0x17: {  	s4 =	simm.s32 $0x1BF5;
	[smem:$0x3FBB] =	sst s0  }
0x18: {  	s0 =	sld [smem:$0x3F9E];
	_ =	swait.ge [sflag:s4], $0x0  }
0x19: {  	s7 =	sld [smem:$0x3F9F]  }
0x1a: {  	s8 =	sadd.s32 $0xFFFFE003, lr  }
0x1b: {  	s9 =	sadd.s32 $0xFFFFFEF7, lr;
	s5 =	simm.s32 $0xFFFFFFFF;
	p2 =	slt.u32 s8, $0xFFFFF086  }
0x1c: {  	p1 =	slt.u32 s9, $0xF7A;
	s5 =	simm.s32 @!p2 $0x0  }
0x1d: {  	s5 =	simm.s32 @p1 $0x1;
	p0 =	seq.s32 s7, s2  }
0x1e: {  	s7 =	smul.u32 @!p0 $0xF7A, s2;
	p2 =	seq.s32 @!p0 s5, $0x0  }
0x1f: {  	s9 =	smul.u32 $0xF7A, s1;
	s8 =	simm.s32 @!p0 $0x1BF5;
	p2 =	por !p2, p0  }
0x20: {  	[sflag:s8] =	ssyncset.s32 @!p0 $0xFFFFF086;
	s6 =	sadd.s32 @!p0 s3, s7;
	s7 =	simm.s32 @!p0 $0x108  }
0x21: {  	s3 =	sadd.s32 s3, s9;
	s6 =	sadd.s32 @!p0 $0x88, s6;
	s7 =	simm.s32 @p2 $0x1082  }
0x22: {  	[simem:s7], [sflag:s8] =	dma.local @!p0 [hbm:s6], $0xF7A  }
0x23: {  	s9 =	sor.u32 $0xD0000000, s2;
	s6 =	simm.s32 $0x108;
	_ =	swait.ge @!p0 [sflag:s8], $0x0  }
0x24: {  	s3 =	sadd.s32 $0x88, s3;
	s6 =	simm.s32 @!p1 $0x1082;
	[sflag:s4] =	ssyncset.s32 $0xFFFFF086  }
0x25: {  	[simem:s6], [sflag:s4] =	dma.local [hbm:s3], $0xF7A  }
0x26: {  	[smem:$0x3F9F] =	sst s1;
	(tag) =	ssettag s2;
	_ =	strace s9  }
0x27: {  	s1 =	sld [smem:$0x3FAF]  }
0x28: {  	s2 =	sld [smem:$0x3FB0]  }
0x29: {  	s4 =	sld [smem:$0x3FB2]  }
0x2a: {  	p0 =	seq.s32 s5, $0x0;
	s5 =	sld [smem:$0x3FB3]  }
0x2b: {  	s6 =	sld [smem:$0x3FB4]  }
0x2c: {  	s7 =	sld [smem:$0x3FB5]  }
0x2d: {  	s3 =	simm.s32 $0x108;
	s8 =	sld [smem:$0x3FB6]  }
0x2e: {  	s3 =	simm.s32 @!p0 $0x1082;
	s9 =	sld [smem:$0x3FB7]  }
0x2f: {  	lr =	sadd.s32 s0, s3;
	s0 =	sld [smem:$0x3FAE]  }
0x30: {  	s3 =	sld [smem:$0x3FB1]  }
0x31: {  	[smem:$0x3FBA] =	sst s10  }
0x32: {  	s10 =	sld [smem:$0x3FB8];
	_ =	sdelay $0x3  }
0x33: {  	p0 =	seq.s32 s10, $0x1;
	s10 =	sld [smem:$0x3FBA];
	_ =	sdelay $0x3  }
0x34: {  	[smem:$0x3FBA] =	sst s10  }
0x35: {  	s10 =	sld [smem:$0x3FB9];
	_ =	sdelay $0x3  }
0x36: {  	p1 =	seq.s32 s10, $0x1;
	s10 =	sld [smem:$0x3FBA];
	_ =	sdelay $0x3  }
0x37: {  	[smem:$0x3FBA] =	sst s10  }
0x38: {  	s10 =	sld [smem:$0x3FBB]  }
0x39: {  	_ = 	snop;
	(pc) =	sbr.ind lr, $3  }
0x3a: {  	_ = 	snop  }
0x3b: {  	_ = 	snop  }
0x3c: {  	p2 =	seq.s32 s10, $0x1;
	s10 =	sld [smem:$0x3FBA]  }
0x3d: {  	_ =	shalt  }
0x3e: {  	_ =	shalt  }
0x3f: {  	_ =	shalt  }
0x40: {  	_ =	shalt  }
0x41: {  	_ =	shalt  }
0x42: {  	_ =	shalt  }
0x43: {  	_ =	shalt  }
0x44: {  	_ =	shalt  }
0x45: {  	_ =	shalt  }
0x46: {  	_ =	shalt  }
0x47: {  	_ =	shalt  }
0x48: {  	_ =	shalt  }
0x49: {  	_ =	shalt  }
0x4a: {  	_ =	shalt  }
0x4b: {  	_ =	shalt  }
0x4c: {  	_ =	shalt  }
0x4d: {  	_ =	shalt  }
0x4e: {  	_ =	shalt  }
0x4f: {  	_ =	shalt  }
0x50: {  	_ =	shalt  }
0x51: {  	_ =	shalt  }
0x52: {  	_ =	shalt  }
0x53: {  	_ =	shalt  }
0x54: {  	_ =	shalt  }
0x55: {  	_ =	shalt  }
0x56: {  	_ =	shalt  }
0x57: {  	_ =	shalt  }
0x58: {  	_ =	shalt  }
0x59: {  	_ =	shalt  }
0x5a: {  	_ =	shalt  }
0x5b: {  	_ =	shalt  }
0x5c: {  	_ =	shalt  }
0x5d: {  	_ =	shalt  }
0x5e: {  	_ =	shalt  }
0x5f: {  	_ =	shalt  }
0x60: {  	_ =	shalt  }
0x61: {  	_ =	shalt  }
0x62: {  	_ =	shalt  }
0x63: {  	_ =	shalt  }
0x64: {  	_ =	shalt  }
0x65: {  	_ =	shalt  }
0x66: {  	_ =	shalt  }
0x67: {  	_ =	shalt  }
0x68: {  	_ =	shalt  }
0x69: {  	_ =	shalt  }
0x6a: {  	_ =	shalt  }
0x6b: {  	_ =	shalt  }
0x6c: {  	_ =	shalt  }
0x6d: {  	_ =	shalt  }
0x6e: {  	_ =	shalt  }
0x6f: {  	_ =	shalt  }
0x70: {  	_ =	shalt  }
0x71: {  	_ =	shalt  }
0x72: {  	_ =	shalt  }
0x73: {  	_ =	shalt  }
0x74: {  	_ =	shalt  }
0x75: {  	_ =	shalt  }
0x76: {  	_ =	shalt  }
0x77: {  	_ =	shalt  }
0x78: {  	_ =	shalt  }
0x79: {  	_ =	shalt  }
0x7a: {  	_ =	shalt  }
0x7b: {  	_ =	shalt  }
0x7c: {  	_ =	shalt  }
0x7d: {  	_ =	shalt  }
0x7e: {  	_ =	shalt  }
0x7f: {  	_ =	shalt  }
0x80: {  	_ =	shalt  }
0x81: {  	_ =	shalt  }
0x82: {  	_ =	shalt  }
0x83: {  	_ =	shalt  }
0x84: {  	_ =	shalt  }
0x85: {  	_ =	shalt  }
0x86: {  	_ =	shalt  }
0x87: {  	_ =	shalt  }
.Lfunc_end0:
.L_simem_size_0:
called_computation_lowered:
.L_overlay_start_0:
0x88: {  	s0 =	sld [smem:$0x3FD9]  }
0x89: {  	s1 =	sld [smem:$0x3FFE];
	_ =	sdelay $0x3  }
0x8a: {  	s0 =	sadd.s32 s1, s0  }
0x8b: {  	[smem:$0x3FC6] =	sst s0  }
0x8c: {  	_ = 	snop  }
0x8d: {  	s0 =	sld [smem:$0x3FC9]  }
0x8e: {  	s16 =	sld [smem:$0x3FC8];
	(tm) =	ssettm $0x1  }
0x8f: {  	s2 =	sld [smem:$0x3FFB];
	_ =	sdelay $0x3  }
0x90: {  	_ =	strace s2  }
0x91: {  	s2 =	sld [smem:$0x3FFC];
	_ =	sdelay $0x3  }
0x92: {  	_ =	strace s2  }
0x93: {  	s2 =	sld [smem:$0x3FFD];
	_ =	sdelay $0x3  }
0x94: {  	_ =	strace s2  }
0x95: {  	_ =	strace $0x8FFFFFFF  }
0x96: {  	s17 =	sld [smem:$0x3FDB];
	_ =	sdelay $0x1  }
0x97: {  	s3 =	simm.s32 $_scs_section_size  }
0x98: {  	s4 =	simm.s32 $_size__tile_overlayer_lowered;
	s5 =	simm.s32 $_tile_overlayer_lowered  }
0x99: {  	s20 =	simm.s32 $0x1BFF;
	s19 =	sshll.u32 s5, $0x1;
	s2 =	sadd.s32 s3, s17  }
0x9a: {  	s6 =	simm.s32 $0x0;
	s18 =	sshll.u32 s4, $0x1;
	s4 =	sadd.s32 s19, s2  }
0x9b: {  	[timem:s6], [sflag:s20] =	dma.local [hbm:s4], s18  }
0x9c: {  	_ =	swait.ge [sflag:s20], s18  }
0x9d: {  	s3 =	ssub.s32 $0x0, s18;
	[sflag:s20] =	ssyncset.done $0x0  }
0x9e: {  	[sflag:s20] =	ssyncadd.s32 s3;
	_ =	sdelay $0x1  }
0x9f: {  	s21 =	simm.s32 $0x1B8B  }
0xa0: {  	_ =	swait.ge [sflag:s21], $0x1  }
0xa1: {  	[sflag:s21] =	ssyncset.done $0x0  }
0xa2: {  	s23 =	simm.s32 $0x1B8E;
	s22 =	sld [smem:$0x3FFE];
	[sflag:s21] =	ssyncadd.s32 $0xFFFFFFFF  }
0xa3: {  	s24 =	simm.s32 $execute0_lowered;
	[smem:$0x3FD2] =	sst s23  }
0xa4: {  	s4 =	sshll.u32 s24, $0x1;
	_ =	strace $0x80000046;
	[dreg:$0x1] =	wrdreg $0xFFFFFFFF  }
0xa5: {  	s25 =	simm.s32 $_size_execute0_lowered;
	s2 =	sadd.s32 s2, s4;
	[dreg:$0x0] =	wrdreg $0x0  }
0xa6: {  	s4 =	sshll.u32 s25, $0x1;
	[dreg:$0x2] =	wrdreg s2  }
0xa7: {  	[dreg:$0x3] =	wrdreg s4  }
0xa8: {  	[dreg:$0x4] =	wrdreg $0xC0  }
0xa9: {  	_ =	task [dreg:s6], $0x5FFFF  }
0xaa: {  	[dreg:$0x1] =	wrdreg $0xFFFFFFFF  }
0xab: {  	[dreg:$0x0] =	wrdreg $0x60  }
0xac: {  	[dreg:$0x2] =	wrdreg s0  }
0xad: {  	[dreg:$0x3] =	wrdreg s16  }
0xae: {  	[dreg:$0x4] =	wrdreg s22  }
0xaf: {  	[dreg:$0x5] =	wrdreg $0x1000  }
0xb0: {  	[dreg:$0x6] =	wrdreg $0x9  }
0xb1: {  	_ =	task.clear_ibuf [dreg:s6], $0x7FFFF;
	_ =	strace $0x90000046  }
0xb2: {  	s26 =	simm.s32 $0x9;
	_ =	strace $0x8000004E  }
0xb3: {  	_ =	swait.ge [sflag:s26], $0x1  }
0xb4: {  	[sflag:s26] =	ssyncadd.s32 $0xFFFFFFFF  }
0xb5: {  	_ =	strace $0x9000004E  }
0xb6: {  	_ =	sfence  }
0xb7: {  	s28 =	sld [smem:$0x0];
	_ =	sdelay $0x1  }
0xb8: {  	s29 =	srdreg.scid  }
0xb9: {  	s30 =	sshll.u32 s29, $0xD;
	s31 =	sshrl.u32 s29, $0x2  }
0xba: {  	s1 =	sand.u32 $0x1, s29;
	s2 =	sand.u32 $0x4000, s30;
	s0 =	sadd.s32 s31, s28  }
0xbb: {  	s1 =	sor.u32 s2, s1;
	s0 =	sshll.u32 s0, $0x11  }
0xbc: {  	s0 =	sor.u32 s0, s1  }
0xbd: {  	s0 =	sadd.s32 $0x8F2B, s0  }
0xbe: {  	[sflag:s0] =	ssyncadd.remote.s32 $0x1  }
0xbf: {  	_ =	sfence.sel $0xFFFF  }
0xc0: {  	[dreg:$0x0] =	wrdreg $0xFFFFFFFF;
	(pc) =	sbr.abs _section_cstart, $3  }
0xc1: {  	[dreg:$0x1] =	wrdreg $0xFFFFFFFF  }
0xc2: {  	_ =	task.clear_ibuf [dreg:s6], $0x2FFFF;
	_ =	strace $0x9FFFFFFF  }
0xc3: {  	(tm) =	ssettm $0x7FFFFFFF  }
tec
execute0_lowered:
.L_overlay_start_1:
0x0: {  	(tag) =	ssettag $0x1  }
0x1: {  	s4 =	rddreg [dreg:$0x0]  }
0x2: {  	s5 =	rddreg [dreg:$0x1]  }
0x3: {  	s1 =	rddreg [dreg:$0x2]  }
0x4: {  	s2 =	rddreg [dreg:$0x3]  }
0x5: {  	s0 =	rddreg [dreg:$0x4]  }
0x6: {  	s6 =	simm.s32 $0x0;
	s3 =	stileid.u32;
	s9 =	simm.s32 $0x220  }
0x7: {  	v0 =	vimm.f32 $0.0e+00;
	s31 =	simm.s32 $0x1220;
	p2 =	por $0x1, $0x1;
	[smem:$0x7FF] =	sst s6  }
0x8: {  	p0 =	por $0x0, $0x0;
	s7 =	sshll.u32 s3, $0x9;
	_ =	strace $0x80000047;
	[tilespmem:$0x0] =	vst v0  }
0x9: {  	s10 =	simm.s32 $0x1;
	s11 =	simm.s32 $0x0;
	s7 =	sor.u32 $0x1E000, s7;
	[tilespmem:$0x80] =	vst v0  }
0xa: {  	s30 =	sshll.u32 s3, $0x1;
	s8 =	sadd.s32 s4, s7;
	_ =	strace $0x80000048  }
0xb: {  	[tilespmem:s9], [sflag:$0x1] =	stream.linear.gather [hbm4b:s8+s6], $0x800, $0x200038;
	[tilespmem:$0x2220] =	vst v63  }
0xc: {  	s1 =	sadd.s32 $0xC00, s1;
	s7 =	sadd.s32 s5, s7;
	s8 =	simm.s32 $0x1  }
0xd: {  	[tilespmem:s31], [sflag:$0x3] =	stream.linear.gather [hbm4b:s7+s6], $0x800, $0x200038;
	[tilespmem:$0x2220] =	vst v63  }
0xe: {  	s9 =	simm.s32 $0x0;
	s7 =	sor.u32 $0x1E0, s30;
	_ =	strace $0x90000048  }
.LBB2_1:
0xf: {  	s12 =	sadd.s32 $0x1, s6  }
0x10: {  	p3 =	seq.s32 s12, $0x2  }
0x11: {  	s12 =	simm.s32 @p3 $0x0  }
0x12: {  	p1 =	por p2, p2;
	p2 =	seq.s32 @p2 s6, s12  }
0x13: {  	p3 =	por p2, !p1  }
0x14: {  	s13 =	sadd.s32 @!p3 s12, s7  }
0x15: {  	s14 =	sand.u32 @!p3 $0x1, s8;
	_ =	strace @!p3 $0x80000049;
	s13 =	sshll.u32 @!p3 s13, $0x8  }
0x16: {  	s17 =	simm.s32 @!p3 $0x0;
	s15 =	sshll.u32 @!p3 s14, $0xB;
	s13 =	sand.u32 @!p3 $0x1FFFFF00, s13  }
0x17: {  	s14 =	sadd.s32 @!p3 $0x1, s14;
	s15 =	sor.u32 @!p3 $0x220, s15;
	s16 =	sadd.s32 @!p3 s4, s13  }
0x18: {  	[tilespmem:s15], [sflag:s14] =	stream.linear.gather @!p3 [hbm4b:s16+s17], $0x800, $0x200038;
	[tilespmem:$0x2220] =	vst v63  }
0x19: {  	s14 =	sand.u32 @!p3 $0x1, s10  }
0x1a: {  	s13 =	sadd.s32 @!p3 s5, s13;
	_ =	strace @!p3 $0x90000049;
	s15 =	sshll.u32 @!p3 s14, $0xB  }
0x1b: {  	s14 =	sadd.s32 @!p3 $0x3, s14;
	_ =	strace @!p3 $0x8000004A;
	s15 =	sor.u32 @!p3 $0x1220, s15  }
0x1c: {  	[tilespmem:s15], [sflag:s14] =	stream.linear.gather @!p3 [hbm4b:s13+s17], $0x800, $0x200038;
	[tilespmem:$0x2220] =	vst v63  }
0x1d: {  	s23 =	sand.u32 $0x1, s11;
	_ =	strace @!p3 $0x9000004A  }
0x1e: {  	s13 =	sadd.s32 $0x1, s23;
	_ =	strace $0x8000004B  }
0x1f: {  	_ =	swait.ge [sflag:s13], $0x800  }
0x20: {  	s24 =	sshll.u32 s11, $0xB;
	[sflag:s13] =	ssyncset.done $0x0  }
0x21: {  	s25 =	sand.u32 $0x1, s9;
	s26 =	sshll.u32 s9, $0xB;
	[sflag:s13] =	ssyncadd.s32 $0xFFFFF800  }
0x22: {  	s14 =	sadd.s32 $0x3, s25;
	s13 =	sand.u32 $0x800, s24;
	_ =	strace $0x9000004B  }
0x23: {  	s15 =	sand.u32 $0x800, s26;
	s13 =	sor.u32 $0x220, s13;
	_ =	strace $0x8000004C  }
0x24: {  	s15 =	sor.u32 $0x1220, s15;
	v2 =	vmov s13;
	_ =	swait.ge [sflag:s14], $0x800  }
0x25: {  	v3 =	vmov s15;
	[sflag:s14] =	ssyncset.done $0x0  }
0x26: {  	[sflag:s14] =	ssyncadd.s32 $0xFFFFF800  }
0x27: {  	_ =	strace $0x9000004C  }
0x28: {  	s28 =	simm.s32 $0x0;
	_ =	strace $0x8000004D  }
0x29: {  	v1 =	vld.idx.msk [tilespmem:v2+s28+$0x0 ss:$0x1], $0xffff  }
0x2a: {  	v4 =	vld.idx.msk [tilespmem:v3+s28+$0x0 ss:$0x1], $0xffff;
	_ =	sdelay $0x3  }
0x2b: {  	v5 =	vsub.f32 $1.000000000e+00, v1  }
0x2c: {  	vm1 =	vge.f32 v4, $6.000000240e-01  }
0x2d: {  	v8 =	vsel vm1, v1, v5  }
0x2e: {  	v1 =	vand.u32 $0x7FFFFF, v8  }
0x2f: {  	v1 =	vor.u32 $0x3F800000, v1  }
0x30: {  	v5 =	vmul.f32 $5.000000000e-01, v1  }
0x31: {  	vm2 =	vge.f32 v1, $1.414213540e+00  }
0x32: {  	s29 =	simm.s32 $0x10;
	v1 =	vsel vm2, v5, v1  }
0x33: {  	v5 =	vld.idx.msk [tilespmem:v2+s29+$0x0 ss:$0x1], $0xffff;
	v6 =	vadd.f32 $-1.000000000e+00, v1  }
0x34: {  	v7 =	vld.idx.msk [tilespmem:v3+s29+$0x0 ss:$0x1], $0xffff  }
0x35: {  	v1 =	vmul.f32 $1.178461390e-01, v6;
	_ =	sdelay $0x1  }
0x36: {  	v1 =	vadd.f32 $-1.845608950e-01, v1  }
0x37: {  	v9 =	vsub.f32 $1.000000000e+00, v5  }
0x38: {  	vm0 =	vge.f32 v7, $6.000000240e-01;
	v10 =	vmul.f32 v1, v6  }
0x39: {  	vm3 =	vle.f32 v4, $4.499999880e-01;
	v11 =	vshra.s32 v8, $0x17;
	v1 =	vsel vm0, v5, v9  }
0x3a: {  	s30 =	simm.s32 $0x20;
	v5 =	vadd.s32 $0xFFFFFF81, v11;
	v9 =	vand.u32 $0x7FFFFF, v1;
	v10 =	vadd.f32 $2.045546030e-01, v10  }
0x3b: {  	v13 =	vld.idx.msk [tilespmem:v3+s30+$0x0 ss:$0x1], $0xffff;
	vm1 =	vmor vm1, vm3;
	v5 =	vcvt.s32.f32 v5;
	v9 =	vor.u32 $0x3F800000, v9  }
0x3c: {  	vm3 =	vle.f32 v7, $4.499999880e-01;
	v11 =	vmul.f32 $5.000000000e-01, v9;
	v10 =	vmul.f32 v10, v6  }
0x3d: {  	vm5 =	vlt.f32 v8, $1.175494350e-38;
	v4 =	vsel vm2, $0x3F800000, v0;
	vm2 =	vge.f32 v9, $1.414213540e+00  }
0x3e: {  	v12 =	vadd.f32 v5, v4;
	v4 =	vsel vm2, v11, v9;
	v9 =	vadd.f32 $-2.492948470e-01, v10  }
0x3f: {  	vm0 =	vmor vm0, vm3;
	v11 =	vld.idx.msk [tilespmem:v2+s30+$0x0 ss:$0x1], $0xffff;
	v10 =	vshra.s32 v1, $0x17;
	v5 =	vadd.f32 $-1.000000000e+00, v4  }
0x40: {  	vm3 =	vle.f32 v13, $4.499999880e-01;
	v10 =	vadd.s32 $0xFFFFFF81, v10;
	v9 =	vmul.f32 v9, v6  }
0x41: {  	v16 =	vsel vm0, $0x3F800000, v0;
	v7 =	vcvt.s32.f32 v10;
	v10 =	vmul.f32 $1.178461390e-01, v5  }
0x42: {  	vm0 =	vmmov vm0;
	v14 =	vsel vm2, $0x3F800000, v0;
	v9 =	vadd.f32 $3.331792950e-01, v9  }
0x43: {  	v4 =	vsel vm1, $0x3F800000, v0;
	v14 =	vadd.f32 v7, v14;
	v7 =	vadd.f32 $-1.845608950e-01, v10  }
0x44: {  	v15 =	vadd.f32 v4, v0;
	v4 =	vsub.f32 $1.000000000e+00, v11;
	v9 =	vmul.f32 v9, v6  }
0x45: {  	vm2 =	vge.f32 v13, $6.000000240e-01;
	vm1 =	vmmov vm1;
	v7 =	vmul.f32 v7, v5  }
0x46: {  	vm4 =	vmmov vm1;
	v4 =	vsel vm2, v11, v4;
	v9 =	vadd.f32 $-5.000073310e-01, v9  }
0x47: {  	s31 =	simm.s32 $0x30;
	v11 =	vmul.f32 $6.931471820e-01, v12;
	v10 =	vand.u32 $0x7FFFFF, v4;
	v7 =	vadd.f32 $2.045546030e-01, v7  }
0x48: {  	v17 =	vld.idx.msk [tilespmem:v3+s31+$0x0 ss:$0x1], $0xffff;
	v12 =	vshra.s32 v4, $0x17;
	v10 =	vor.u32 $0x3F800000, v10;
	v9 =	vmul.f32 v9, v6  }
0x49: {  	v12 =	vadd.s32 $0xFFFFFF81, v12;
	v13 =	vmul.f32 $5.000000000e-01, v10;
	v7 =	vmul.f32 v7, v5  }
0x4a: {  	v18 =	vld.idx.msk [tilespmem:v2+s31+$0x0 ss:$0x1], $0xffff;
	vm1 =	vge.f32 v10, $1.414213540e+00;
	v12 =	vcvt.s32.f32 v12;
	v19 =	vadd.f32 $1.000000720e+00, v9  }
0x4b: {  	v9 =	vsel vm1, v13, v10;
	v7 =	vadd.f32 $-2.492948470e-01, v7;
	v10 =	vsel vm1, $0x3F800000, v0  }
0x4c: {  	v9 =	vadd.f32 $-1.000000000e+00, v9;
	v10 =	vadd.f32 v12, v10;
	v12 =	vmul.f32 v19, v6  }
0x4d: {  	vm3 =	vmor vm2, vm3;
	vm2 =	vle.f32 v17, $4.499999880e-01;
	v13 =	vmul.f32 v7, v5  }
0x4e: {  	v6 =	vadd.f32 v16, v15;
	v15 =	vmul.f32 $1.178461390e-01, v9;
	v11 =	vadd.f32 v12, v11  }
0x4f: {  	vm1 =	vge.f32 v17, $6.000000240e-01;
	v12 =	vadd.f32 $3.331792950e-01, v13;
	v13 =	vsub.f32 $1.000000000e+00, v18  }
0x50: {  	v7 =	vsel vm3, $0x3F800000, v0;
	v15 =	vadd.f32 $-1.845608950e-01, v15;
	v11 =	vmax.f32 v11, $-1.000000000e+02  }
0x51: {  	p2 =	por !p2, !p1;
	v16 =	vmul.f32 v12, v5;
	v8 =	vsel vm1, v18, v13;
	v11 =	vsub.f32 $0.0e+00, v11  }
0x52: {  	s15 =	smov.u32 s8;
	s13 =	simm.s32 $0x0;
	s14 =	sadd.s32 @!p3 $0x1, s8;
	v12 =	vmul.f32 $6.931471820e-01, v14;
	v13 =	vmul.f32 v15, v9;
	v15 =	vand.u32 $0x7FFFFF, v8  }
0x53: {  	s13 =	simm.s32 @p2 $0x1;
	s15 =	smov.u32 @p2 s14;
	v14 =	vadd.f32 $-5.000073310e-01, v16;
	v15 =	vor.u32 $0x3F800000, v15;
	v11 =	vsel vm5, $0x42C80000, v11  }
0x54: {  	s13 =	simm.s32 @!p1 $0x0;
	s14 =	simm.s32 $0x100;
	s8 =	smov.u32 @p1 s15;
	v16 =	vadd.f32 $2.045546030e-01, v13;
	v13 =	vnsel vm4, $0x0, v11;
	v11 =	vimm.f32 $0.0e+00  }
.LBB2_2:
0x55: {  	v17 =	vshra.s32 v8, $0x17;
	v14 =	vmul.f32 v14, v5  }
0x56: {  	s15 =	sshra.s32 s14, $0x2;
	p2 =	sne.s32 s14, $0x1FC0;
	s14 =	sadd.s32 $0x40, s14;
	v11 =	vadd.f32 v13, v11;
	vm4 =	vmmov vm0;
	vm0 =	vmmov vm3  }
0x57: {  	v18 =	vmul.f32 $5.000000000e-01, v15;
	v13 =	vld.idx.msk [tilespmem:v3+s15+$0x0 ss:$0x1], $0xffff;
	v17 =	vadd.s32 $0xFFFFFF81, v17;
	v16 =	vmul.f32 v16, v9  }
0x58: {  	vm3 =	vge.f32 v15, $1.414213540e+00;
	v19 =	vld.idx.msk [tilespmem:v2+s15+$0x0 ss:$0x1], $0xffff;
	v17 =	vcvt.s32.f32 v17;
	v14 =	vadd.f32 $1.000000720e+00, v14  }
0x59: {  	v15 =	vsel vm3, v18, v15;
	v18 =	vsel vm3, $0x3F800000, v0;
	v16 =	vadd.f32 $-2.492948470e-01, v16  }
0x5a: {  	v17 =	vadd.f32 v17, v18;
	v14 =	vmul.f32 v14, v5;
	v5 =	vmovc v9;
	v9 =	vadd.f32 $-1.000000000e+00, v15  }
0x5b: {  	v6 =	vadd.f32 v7, v6;
	vm3 =	vmor vm1, vm2;
	v15 =	vmul.f32 v16, v5  }
0x5c: {  	v7 =	vsel vm3, $0x3F800000, v0;
	v16 =	vmul.f32 $1.178461390e-01, v9;
	v12 =	vadd.f32 v14, v12  }
0x5d: {  	vm1 =	vge.f32 v13, $6.000000240e-01;
	vm2 =	vle.f32 v13, $4.499999880e-01;
	v13 =	vadd.f32 $3.331792950e-01, v15  }
.Ltmp0:
0x5e: {  	v14 =	vsub.f32 $1.000000000e+00, v19;
	v15 =	vadd.f32 $-1.845608950e-01, v16;
	v12 =	vmax.f32 v12, $-1.000000000e+02;
	(pc) =	sbr.rel @p2 .LBB2_2-.Ltmp0, $4  }
0x5f: {  	vm5 =	vlt.f32 v1, $1.175494350e-38;
	v1 =	vmovc v4;
	v4 =	vmovc v8;
	v13 =	vmul.f32 v13, v5;
	v16 =	vsub.f32 $0.0e+00, v12  }
0x60: {  	v8 =	vsel vm1, v19, v14;
	v12 =	vmul.f32 $6.931471820e-01, v10;
	v10 =	vmovc v17;
	v18 =	vmul.f32 v15, v9  }
0x61: {  	v15 =	vand.u32 $0x7FFFFF, v8;
	v14 =	vadd.f32 $-5.000073310e-01, v13;
	v13 =	vsel vm5, $0x42C80000, v16  }
0x62: {  	v15 =	vor.u32 $0x3F800000, v15;
	v16 =	vadd.f32 $2.045546030e-01, v18;
	v13 =	vnsel vm4, $0x0, v13  }
0x63: {  	v2 =	vmul.f32 $5.000000000e-01, v15  }
0x64: {  	vm4 =	vge.f32 v15, $1.414213540e+00  }
0x65: {  	v2 =	vsel vm4, v2, v15  }
0x66: {  	v2 =	vadd.f32 $-1.000000000e+00, v2;
	_ =	sdelay $0x1  }
0x67: {  	v3 =	vmul.f32 $1.178461390e-01, v2;
	_ =	sdelay $0x1  }
0x68: {  	v3 =	vadd.f32 $-1.845608950e-01, v3;
	_ =	sdelay $0x1  }
0x69: {  	v3 =	vmul.f32 v3, v2;
	_ =	sdelay $0x1  }
0x6a: {  	v55 =	vmul.f32 v16, v9;
	v3 =	vadd.f32 $2.045546030e-01, v3;
	_ =	sdelay $0x1  }
0x6b: {  	v15 =	vadd.f32 $-2.492948470e-01, v55;
	v3 =	vmul.f32 v3, v2;
	_ =	sdelay $0x1  }
0x6c: {  	v15 =	vmul.f32 v15, v9;
	v3 =	vadd.f32 $-2.492948470e-01, v3;
	_ =	sdelay $0x1  }
0x6d: {  	v15 =	vadd.f32 $3.331792950e-01, v15;
	v3 =	vmul.f32 v3, v2;
	_ =	sdelay $0x1  }
0x6e: {  	v15 =	vmul.f32 v15, v9;
	v3 =	vadd.f32 $3.331792950e-01, v3  }
0x6f: {  	v14 =	vmul.f32 v14, v5  }
0x70: {  	v15 =	vadd.f32 $-5.000073310e-01, v15;
	v3 =	vmul.f32 v3, v2  }
0x71: {  	v14 =	vadd.f32 $1.000000720e+00, v14  }
0x72: {  	v57 =	vshra.s32 v8, $0x17;
	v15 =	vmul.f32 v15, v9;
	v3 =	vadd.f32 $-5.000073310e-01, v3  }
0x73: {  	v56 =	vmul.f32 v14, v5;
	v14 =	vadd.s32 $0xFFFFFF81, v57  }
0x74: {  	v14 =	vcvt.s32.f32 v14;
	v15 =	vadd.f32 $1.000000720e+00, v15;
	v3 =	vmul.f32 v3, v2  }
0x75: {  	v10 =	vmul.f32 $6.931471820e-01, v10;
	v58 =	vsel vm4, $0x3F800000, v0;
	v5 =	vadd.f32 v56, v12  }
0x76: {  	v12 =	vadd.f32 v14, v58;
	v59 =	vmul.f32 v15, v9;
	v3 =	vadd.f32 $1.000000720e+00, v3  }
0x77: {  	v11 =	vadd.f32 v13, v11;
	vm0 =	vmmov vm0;
	v5 =	vmax.f32 v5, $-1.000000000e+02  }
0x78: {  	v60 =	vmul.f32 $6.931471820e-01, v12;
	v9 =	vadd.f32 v59, v10;
	v2 =	vmul.f32 v3, v2  }
0x79: {  	vm3 =	vmmov vm3;
	vm11 =	vlt.f32 v1, $1.175494350e-38;
	v5 =	vsub.f32 $0.0e+00, v5  }
0x7a: {  	vm1 =	vmor vm1, vm2;
	v3 =	vmax.f32 v9, $-1.000000000e+02;
	v2 =	vadd.f32 v2, v60  }
0x7b: {  	vm12 =	vlt.f32 v4, $1.175494350e-38;
	v1 =	vsel vm11, $0x42C80000, v5;
	v3 =	vsub.f32 $0.0e+00, v3  }
0x7c: {  	vm13 =	vmmov vm3;
	v1 =	vnsel vm0, $0x0, v1;
	v2 =	vmax.f32 v2, $-1.000000000e+02  }
0x7d: {  	v1 =	vadd.f32 v1, v11;
	v3 =	vsel vm12, $0x42C80000, v3;
	v2 =	vsub.f32 $0.0e+00, v2  }
0x7e: {  	vm15 =	vlt.f32 v8, $1.175494350e-38;
	v61 =	vld [tilespmem:$0x0];
	vm14 =	vmmov vm1;
	v3 =	vnsel vm13, $0x0, v3  }
0x7f: {  	vm0 =	vmmov vm14;
	v1 =	vadd.f32 v3, v1;
	v3 =	vld [tilespmem:$0x80];
	v2 =	vsel vm15, $0x42C80000, v2  }
0x80: {  	v62 =	vadd.f32 v7, v6;
	v2 =	vnsel vm0, $0x0, v2  }
0x81: {  	v63 =	vsel vm1, $0x3F800000, v0;
	v1 =	vadd.f32 v2, v1  }
0x82: {  	v2 =	vadd.f32 v63, v62  }
.Ltmp1:
0x83: {  	p2 =	sne.s32 s6, s12;
	v1 =	vadd.f32 v61, v1;
	(pc) =	sbr.rel @p1 .LBB2_1-.Ltmp1, $4  }
0x84: {  	s6 =	simm.s32 $0x1;
	p0 =	por p0, p2;
	v2 =	vadd.f32 v3, v2  }
0x85: {  	s10 =	sadd.s32 s10, s13;
	s6 =	simm.s32 @!p0 $0x0;
	[tilespmem:$0x0] =	vst v1  }
0x86: {  	p2 =	por $0x0, $0x0;
	p0 =	por $0x1, $0x1;
	s11 =	sadd.s32 s6, s11;
	[tilespmem:$0x80] =	vst v2  }
0x87: {  	s9 =	sadd.s32 s6, s9;
	s6 =	smov.u32 s12;
	_ =	strace $0x9000004D  }
0x88: {  	s4 =	sshll.u32 s3, $0x5  }
0x89: {  	s5 =	sshll.u32 s3, $0x4;
	s4 =	sand.u32 $0x100, s4  }
0x8a: {  	s5 =	sand.u32 $0x70, s5;
	s4 =	sadd.s32 s4, s2  }
0x8b: {  	s6 =	sadd.s32 s5, s4;
	s5 =	simm.s32 $0x0;
	s4 =	simm.s32 $0x1  }
0x8c: {  	[spmem:s6] =	stream.linear.scatter [tilespmem:s5], [sflag:$0x1], $0x10, $0x38;
	[tilespmem:$0x2220] =	vst v63  }
0x8d: {  	_ =	swait.ge [sflag:s4], $0x10  }
0x8e: {  	[sflag:s4] =	ssyncset.done $0x0  }
0x8f: {  	s7 =	sadd.s32 $0x80, s6;
	s6 =	simm.s32 $0x80;
	[sflag:s4] =	ssyncadd.s32 $0xFFFFFFF0  }
0x90: {  	[spmem:s7] =	stream.linear.scatter [tilespmem:s6], [sflag:$0x1], $0x10, $0x38;
	[tilespmem:$0x2220] =	vst v63  }
0x91: {  	_ =	swait.ge [sflag:s4], $0x10  }
0x92: {  	[sflag:s4] =	ssyncset.done $0x0  }
0x93: {  	[sflag:s4] =	ssyncadd.s32 $0xFFFFFFF0  }
0x94: {  	p0 =	sne.s32 s3, $0x0;
	[bflag:$0x0] =	sbarrier.arrive $0xFFFF  }
0x95: {  	_ =	sfence.sel @p0 $0x180000  }
0x96: {  	[bflag:$0x0] =	sbarrier.arrive @p0 $0xFFFF  }
0x97: {  	_ =	strace @p0 $0x90000047  }
0x98: {  	[bflag:$0x2] =	sbarrier.arrive @p0 $0xFFFF  }
0x99: {  	_ =	shalt @p0  }
.LBB2_5:
0x9a: {  	s3 =	simm.s32 $0x100;
	s7 =	simm.s32 $0x120  }
0x9b: {  	[tilespmem:s7], [sflag:$0x1] =	stream.strided.gather [spmem:s2], $0x100, s3, s6, $0x38;
	[tilespmem:$0x2220] =	vst v63  }
0x9c: {  	_ =	swait.ge [sflag:s4], $0x100  }
0x9d: {  	[sflag:s4] =	ssyncset.done $0x0  }
0x9e: {  	[sflag:s4] =	ssyncadd.s32 $0xFFFFFF00  }
0x9f: {  	v0 =	vld [tilespmem:$0x120]  }
0xa0: {  	v1 =	vld [tilespmem:$0x130]  }
0xa1: {  	v2 =	vld [tilespmem:$0x140]  }
0xa2: {  	v3 =	vld [tilespmem:$0x150]  }
0xa3: {  	v4 =	vld [tilespmem:$0x160]  }
0xa4: {  	v5 =	vld [tilespmem:$0x170]  }
0xa5: {  	v6 =	vld [tilespmem:$0x180]  }
0xa6: {  	v7 =	vld [tilespmem:$0x190]  }
0xa7: {  	v8 =	vld [tilespmem:$0x1A0]  }
0xa8: {  	v9 =	vld [tilespmem:$0x1B0]  }
0xa9: {  	v10 =	vld [tilespmem:$0x1C0]  }
0xaa: {  	v11 =	vld [tilespmem:$0x1D0]  }
0xab: {  	v12 =	vld [tilespmem:$0x1E0]  }
0xac: {  	v13 =	vld [tilespmem:$0x1F0]  }
0xad: {  	s31 =	sadd.s32 $0x80, s2;
	v14 =	vld [tilespmem:$0x200]  }
0xae: {  	v15 =	vld [tilespmem:$0x210];
	[tilespmem:s7], [sflag:$0x1] =	stream.strided.gather [spmem:s31], $0x100, s3, s6, $0x38  }
0xaf: {  	_ =	swait.ge [sflag:s4], $0x100  }
0xb0: {  	[sflag:s4] =	ssyncset.done $0x0  }
0xb1: {  	[sflag:s4] =	ssyncadd.s32 $0xFFFFFF00  }
0xb2: {  	v16 =	vld [tilespmem:$0x120];
	_ =	sdelay $0x1  }
0xb3: {  	v17 =	vld [tilespmem:$0x130];
	_ =	sdelay $0x1  }
0xb4: {  	v18 =	vld [tilespmem:$0x140];
	v0 =	vadd.f32 $0.0e+00, v0  }
0xb5: {  	v16 =	vadd.f32 $0.0e+00, v16  }
0xb6: {  	v51 =	vld [tilespmem:$0x150];
	v0 =	vadd.f32 v1, v0  }
0xb7: {  	v16 =	vadd.f32 v17, v16  }
0xb8: {  	v52 =	vld [tilespmem:$0x160];
	v0 =	vadd.f32 v2, v0  }
0xb9: {  	v16 =	vadd.f32 v18, v16  }
0xba: {  	v53 =	vld [tilespmem:$0x170];
	v0 =	vadd.f32 v3, v0  }
0xbb: {  	v1 =	vadd.f32 v51, v16  }
0xbc: {  	v54 =	vld [tilespmem:$0x180];
	v0 =	vadd.f32 v4, v0  }
0xbd: {  	v1 =	vadd.f32 v52, v1  }
0xbe: {  	v55 =	vld [tilespmem:$0x190];
	v0 =	vadd.f32 v5, v0  }
0xbf: {  	v1 =	vadd.f32 v53, v1  }
0xc0: {  	v56 =	vld [tilespmem:$0x1A0];
	v0 =	vadd.f32 v6, v0  }
0xc1: {  	v1 =	vadd.f32 v54, v1  }
0xc2: {  	v57 =	vld [tilespmem:$0x1B0];
	v0 =	vadd.f32 v7, v0  }
0xc3: {  	v1 =	vadd.f32 v55, v1  }
0xc4: {  	v58 =	vld [tilespmem:$0x1C0];
	v0 =	vadd.f32 v8, v0  }
0xc5: {  	v1 =	vadd.f32 v56, v1  }
0xc6: {  	v59 =	vld [tilespmem:$0x1D0];
	v0 =	vadd.f32 v9, v0  }
0xc7: {  	v1 =	vadd.f32 v57, v1  }
0xc8: {  	v60 =	vld [tilespmem:$0x1E0];
	v0 =	vadd.f32 v10, v0  }
0xc9: {  	v1 =	vadd.f32 v58, v1  }
0xca: {  	v61 =	vld [tilespmem:$0x1F0];
	v0 =	vadd.f32 v11, v0  }
0xcb: {  	v1 =	vadd.f32 v59, v1  }
0xcc: {  	v62 =	vld [tilespmem:$0x200];
	v0 =	vadd.f32 v12, v0  }
0xcd: {  	v1 =	vadd.f32 v60, v1  }
0xce: {  	v63 =	vld [tilespmem:$0x210];
	v0 =	vadd.f32 v13, v0  }
0xcf: {  	v1 =	vadd.f32 v61, v1  }
0xd0: {  	v0 =	vadd.f32 v14, v0  }
0xd1: {  	v1 =	vadd.f32 v62, v1  }
0xd2: {  	v0 =	vadd.f32 v15, v0  }
0xd3: {  	v1 =	vadd.f32 v63, v1  }
0xd4: {  	(xrf2) =	vadd.scan.msk.f32 $0xffff, v0  }
0xd5: {  	(xrf2) =	vadd.scan.msk.f32 $0xffff, v1;
	_ =	sdelay $0x8  }
0xd6: {  	v0, _, _ =	vpop (xrf2)  }
0xd7: {  	v1, _, _ =	vpop (xrf2)  }
0xd8: {  	v1 =	vbroadcast v1, $0xF  }
0xd9: {  	vm0 =	vcmask $0x704;
	v0 =	vbroadcast v0, $0xF  }
0xda: {  	vm15 =	vcmask $0x3F04;
	v1 =	vnsel vm0, $0x0, v1  }
0xdb: {  	v0 =	vsel vm15, v1, v0  }
0xdc: {  	[tilespmem:$0x0] =	vst v0  }
0xdd: {  	[hbm4b:s1+s5] =	stream.linear.scatter [tilespmem:s5], [sflag:$0x1], $0x80, $0x38;
	[tilespmem:$0x2220] =	vst v63  }
0xde: {  	_ =	swait.ge [sflag:s4], $0x80  }
0xdf: {  	[sflag:s4] =	ssyncset.done $0x0  }
0xe0: {  	[sflag:s4] =	ssyncadd.s32 $0xFFFFFF80  }
0xe1: {  	_ =	sfence.sel $0x180000  }
0xe2: {  	[bflag:$0x0] =	sbarrier.arrive $0xFFFF  }
0xe3: {  	_ =	strace $0x90000047  }
0xe4: {  	s0 =	sadd.s32 $0x100000, s0;
	[bflag:$0x2] =	sbarrier.arrive $0xFFFF  }
0xe5: {  	[sflag:s0] =	ssyncadd.tile.s32 $0x1;
	_ =	shalt  }
.Lfunc_end2:
_tile_overlayer_lowered:
.L_overlay_start_2:
0xe6: {  	(tag) =	ssettag $0x2  }
0xe7: {  	s0 =	rddreg [dreg:$0x0];
	s2 =	stileid.u32  }
0xe8: {  	s1 =	rddreg [dreg:$0x1];
	p0 =	sne.s32 s2, $0x0  }
0xe9: {  	s3 =	rddreg [dreg:$0x2];
	[bflag:$0x3] =	sbarrier.arrive $0xFFFF;
	s2 =	simm.s32 @!p0 $0x1C01  }
0xea: {  	[timem:s3], [sflag:s2] =	dma.local @!p0 [hbm:s0], s1  }
0xeb: {  	s0 =	simm.s32 @!p0 $0x1  }
0xec: {  	_ =	swait.ge @!p0 [sflag:s0], s1  }
0xed: {  	s1 =	ssub.s32 @!p0 $0x0, s1;
	[sflag:s0] =	ssyncset.done @!p0 $0x0  }
0xee: {  	[sflag:s0] =	ssyncadd.s32 @!p0 s1  }
0xef: {  	[bflag:$0x3] =	sbarrier.arrive $0xFFFF  }
0xf0: {  	_ =	shalt  }

</sc_bundles>
